<compile_context>
chip_gen: v7x
topology: tpu7x:2x2x1
jax: 0.10.2.dev20260603
libtpu: 0.0.44.dev20260713+nightly
codegen_flags: <defaults>
</compile_context>

<pallas_src>
import jax
import jax.numpy as jnp
from jax.experimental import pallas as pl
from jax.experimental.pallas import tpu as pltpu
from jax.experimental.pallas import tpu_sc as plsc

B = 1024
D_TEXT = 768
D_JOINT = 1536
K_DB = 100000
D_PROJ = 384
TOP_K = 3

KEY_TILE = 4000
NUM_TILES = K_DB // KEY_TILE

GATHER_WINDOW = 128


def _mlp_kernel(text_ref, img_ref, gt_ref, w1_ref, b1_ref, w2_ref, b2_ref,
                w3_ref, b3_ref, proj_ref, pn_ref, loss_ref):
    f32 = jnp.float32
    h = jax.lax.dot_general(text_ref[...], w1_ref[:D_TEXT, :],
                            (((1,), (0,)), ((), ())), preferred_element_type=f32)
    h = h + jax.lax.dot_general(img_ref[...], w1_ref[D_TEXT:, :],
                                (((1,), (0,)), ((), ())), preferred_element_type=f32)
    h = jnp.maximum(h + b1_ref[...], 0.0)
    h = jax.lax.dot_general(h, w2_ref[...], (((1,), (0,)), ((), ())),
                            preferred_element_type=f32)
    h = jnp.maximum(h + b2_ref[...], 0.0)
    proj = jax.lax.dot_general(h, w3_ref[...], (((1,), (0,)), ((), ())),
                               preferred_element_type=f32) + b3_ref[...]
    proj_ref[...] = proj
    norm = jnp.sqrt(jnp.sum(proj * proj, axis=1, keepdims=True))
    pn_ref[...] = proj / jnp.clip(norm, 1e-12, None)
    gt = gt_ref[...]
    num = jnp.sum(proj * gt, axis=1, keepdims=True)
    gt_norm = jnp.sqrt(jnp.sum(gt * gt, axis=1, keepdims=True))
    den = jnp.clip(norm, 1e-8, None) * jnp.clip(gt_norm, 1e-8, None)
    loss_ref[...] = jnp.mean(1.0 - num / den, axis=0, keepdims=True)


def _topk_kernel(pn_ref, keys_ref, st_ref):
    t = pl.program_id(0)

    @pl.when(t == 0)
    def _():
        st_ref[...] = jnp.full((8, B), -jnp.inf, jnp.float32)

    s = jax.lax.dot_general(keys_ref[...], pn_ref[...],
                            (((1,), (1,)), ((), ())),
                            preferred_element_type=jnp.float32)
    row = jax.lax.broadcasted_iota(jnp.int32, s.shape, 0)
    base = (t * KEY_TILE).astype(jnp.float32)
    tile_v, tile_i = [], []
    for j in range(TOP_K):
        m = jnp.max(s, axis=0, keepdims=True)
        a = jnp.argmax(s, axis=0, keepdims=True).astype(jnp.int32)
        tile_v.append(m)
        tile_i.append(a.astype(jnp.float32) + base)
        if j < TOP_K - 1:
            s = jnp.where(row == a, -jnp.inf, s)

    v1, v2, v3 = st_ref[0:1, :], st_ref[1:2, :], st_ref[2:3, :]
    i1, i2, i3 = st_ref[3:4, :], st_ref[4:5, :], st_ref[5:6, :]
    m1, m2, m3 = tile_v
    a1, a2, a3 = tile_i

    def vmax(xv, xi, yv, yi):
        c = (xv > yv) | ((xv == yv) & (xi < yi))
        return jnp.where(c, xv, yv), jnp.where(c, xi, yi)

    def vmin(xv, xi, yv, yi):
        c = (xv > yv) | ((xv == yv) & (xi < yi))
        return jnp.where(c, yv, xv), jnp.where(c, yi, xi)

    o1v, o1i = vmax(v1, i1, m1, a1)
    p1v, p1i = vmin(v1, i1, m1, a1)
    q1v, q1i = vmax(v2, i2, m2, a2)
    o2v, o2i = vmax(p1v, p1i, q1v, q1i)
    u1v, u1i = vmin(v1, i1, m2, a2)
    u2v, u2i = vmin(v2, i2, m1, a1)
    u3v, u3i = vmax(v3, i3, m3, a3)
    w1v, w1i = vmax(u1v, u1i, u2v, u2i)
    o3v, o3i = vmax(w1v, w1i, u3v, u3i)

    st_ref[0:1, :] = o1v
    st_ref[1:2, :] = o2v
    st_ref[2:3, :] = o3v
    st_ref[3:4, :] = o1i
    st_ref[4:5, :] = o2i
    st_ref[5:6, :] = o3i


def _sc_gather(kb_embs, idx_flat):
    n = idx_flat.shape[1]
    mesh = plsc.VectorSubcoreMesh(core_axis_name="c", subcore_axis_name="s")

    @pl.kernel(out_type=jax.ShapeDtypeStruct((n, D_PROJ), kb_embs.dtype),
               mesh=mesh)
    def gather_kernel(kb_hbm, i_hbm, o_hbm):
        def body(i_vmem, o_vmem):
            pltpu.sync_copy(kb_hbm.at[i_vmem.at[0]], o_vmem)

        pltpu.emit_pipeline(
            body,
            grid=(n // GATHER_WINDOW,),
            in_specs=[pl.BlockSpec((1, GATHER_WINDOW),
                                   index_map=lambda i: (0, i))],
            out_specs=[pl.BlockSpec((GATHER_WINDOW, D_PROJ),
                                    index_map=lambda i: (i, 0))],
            core_axis_name=("c", "s"),
            dimension_semantics=(pltpu.PARALLEL,),
        )(i_hbm, o_hbm)

    return gather_kernel(kb_embs, idx_flat)


def kernel(text_emb, image_emb, gt_retrievals_emb, W1, b1, W2, b2, W3, b3,
           keys, kb_embs):
    f32 = jnp.float32
    proj, pn, loss = pl.pallas_call(
        _mlp_kernel,
        out_shape=(
            jax.ShapeDtypeStruct((B, D_PROJ), f32),
            jax.ShapeDtypeStruct((B, D_PROJ), f32),
            jax.ShapeDtypeStruct((1, 1), f32),
        ),
    )(text_emb, image_emb, gt_retrievals_emb, W1, b1.reshape(1, -1),
      W2, b2.reshape(1, -1), W3, b3.reshape(1, -1))

    st = pl.pallas_call(
        _topk_kernel,
        grid=(NUM_TILES,),
        in_specs=[
            pl.BlockSpec((B, D_PROJ), lambda t: (0, 0)),
            pl.BlockSpec((KEY_TILE, D_PROJ), lambda t: (t, 0)),
        ],
        out_specs=pl.BlockSpec((8, B), lambda t: (0, 0)),
        out_shape=jax.ShapeDtypeStruct((8, B), f32),
        compiler_params=pltpu.CompilerParams(
            dimension_semantics=("arbitrary",)),
    )(pn, keys)

    idx = st[3:6, :].astype(jnp.int32)
    idx_flat = idx.T.reshape(1, B * TOP_K)
    retrieved = _sc_gather(kb_embs, idx_flat)
    return retrieved.reshape(B, TOP_K, D_PROJ), proj, loss.reshape(())

# --- scband reference (transcript-rebuilt; emitter-appended) ---
"""Pipeline reference for scband-retriever-71674414235834 (READ-ONLY COPY).

The authoritative reference and input builder live on the scoring server;
editing this copy changes nothing except your own understanding.
"""

import jax, jax.numpy as jnp
import numpy as np

B = 1024
D_TEXT = 768
D_IMG = 768
D_JOINT = 1536
K_DB = 100000
D_PROJ = 384
TOP_K = 3


def setup_inputs(seed: int = 0) -> dict:
    key = jax.random.key(seed)
    ks = jax.random.split(key, 12)
    text_emb = jax.random.normal(ks[0], (B, D_TEXT), dtype=jnp.float32)
    image_emb = jax.random.normal(ks[1], (B, D_IMG), dtype=jnp.float32)
    gt_retrievals_emb = jax.random.normal(ks[2], (B, D_PROJ), dtype=jnp.float32)
    # projection MLP params (Linear(1536,1024) -> ReLU -> Linear(1024,512) -> ReLU -> Linear(512,384))
    W1 = jax.random.normal(ks[3], (D_JOINT, 1024), dtype=jnp.float32) * 0.02
    b1 = jnp.zeros((1024,), dtype=jnp.float32)
    W2 = jax.random.normal(ks[4], (1024, 512), dtype=jnp.float32) * 0.02
    b2 = jnp.zeros((512,), dtype=jnp.float32)
    W3 = jax.random.normal(ks[5], (512, D_PROJ), dtype=jnp.float32) * 0.02
    b3 = jnp.zeros((D_PROJ,), dtype=jnp.float32)
    # faiss index stand-in: dense key matrix (L2-normalized, inner-product search)
    keys = jax.random.normal(ks[6], (K_DB, D_PROJ), dtype=jnp.float32)
    keys = keys / jnp.clip(jnp.linalg.norm(keys, axis=1, keepdims=True), 1e-12, None)
    # SentenceTransformer re-embedding stand-in: precomputed kb entry embeddings (384-d MiniLM)
    kb_embs = jax.random.normal(ks[7], (K_DB, D_PROJ), dtype=jnp.float32)
    return {
        'text_emb': text_emb, 'image_emb': image_emb, 'gt_retrievals_emb': gt_retrievals_emb,
        'W1': W1, 'b1': b1, 'W2': W2, 'b2': b2, 'W3': W3, 'b3': b3,
        'keys': keys, 'kb_embs': kb_embs,
    }


def reference(text_emb, image_emb, gt_retrievals_emb, W1, b1, W2, b2, W3, b3, keys, kb_embs):
    # retrieve(): joint_emb = cat([text_emb, image_emb], dim=-1)
    joint = jnp.concatenate([text_emb, image_emb], axis=-1)
    # get_topk_contents(): project -> normalize -> index.search (brute-force IP top-k)
    h = jnp.maximum(joint @ W1 + b1, 0.0)
    h = jnp.maximum(h @ W2 + b2, 0.0)
    projected = h @ W3 + b3
    pn = projected / jnp.clip(jnp.linalg.norm(projected, axis=1, keepdims=True), 1e-12, None)
    scores = pn @ keys.T  # [B, K_DB]
    _, idx = jax.lax.top_k(scores, TOP_K)  # [B, TOP_K]
    # embedder.encode(topk contents) -> gather precomputed 384-d kb embeddings
    retrieved_vecs = jnp.take(kb_embs, idx.reshape(-1), axis=0).reshape(B, TOP_K, D_PROJ)
    # retr_loss = (1 - cosine_similarity(projected, gt_retrievals_emb)).mean()
    num = jnp.sum(projected * gt_retrievals_emb, axis=1)
    den = jnp.clip(jnp.linalg.norm(projected, axis=1), 1e-8, None) * jnp.clip(jnp.linalg.norm(gt_retrievals_emb, axis=1), 1e-8, None)
    retr_loss = jnp.mean(1.0 - num / den)
    return retrieved_vecs, projected, retr_loss

if __name__ == "__main__":
    import jax
    _d = setup_inputs()
    print(jax.jit(kernel)(*tuple(_d.values())))

</pallas_src>

<mosaic_0001>
#map = affine_map<(d0, d1) -> (0, 0)>
module attributes {stable_mosaic.version = 14 : i64} {
  func.func @gather_kernel(%arg0: i32, %arg1: i32, %arg2: memref<100000x384xf32, #tpu.memory_space<hbm>>, %arg3: memref<1x3072xi32, #tpu.memory_space<hbm>>, %arg4: memref<3072x384xf32, #tpu.memory_space<hbm>>) attributes {dimension_semantics = [#tpu.dimension_semantics<core_parallel>, #tpu.dimension_semantics<subcore_parallel>], iteration_bounds = array<i64: 2, 16>, scalar_prefetch = 0 : i64, scratch_operands = 0 : i64, tpu.core_type = #tpu.core_type<sc_vector_subcore>, window_params = [{transform_indices = #map}, {transform_indices = #map}, {transform_indices = #map}]} {
    %mul3A = arith.constant 1 : i32
    %mul3A_0 = arith.muli %arg1, %mul3A : i32
    %add3A = arith.constant 0 : i32
    %add3A_1 = arith.addi %add3A, %mul3A_0 : i32
    %mul3A_2 = arith.constant 16 : i32
    %mul3A_3 = arith.muli %arg0, %mul3A_2 : i32
    %add3A_4 = arith.addi %add3A_1, %mul3A_3 : i32
    %lt3A = arith.constant 24 : i32
    %lt3A_5 = arith.cmpi slt, %add3A_4, %lt3A : i32
    %jit3A = arith.constant 1 : i32
    %jit3A_6 = arith.constant 0 : i32
    %select_n3A = arith.select %lt3A_5, %jit3A, %jit3A_6 : i32
    %lt3A_7 = arith.constant 24 : i32
    %lt3A_8 = arith.cmpi slt, %add3A_4, %lt3A_7 : i32
    %mul3A_9 = arith.muli %add3A_4, %select_n3A : i32
    %mul3A_10 = arith.constant 0 : i32
    %mul3A_11 = arith.muli %add3A_4, %mul3A_10 : i32
    %add3A_12 = arith.constant 24 : i32
    %add3A_13 = arith.addi %mul3A_11, %add3A_12 : i32
    %select_n3A_14 = arith.select %lt3A_8, %mul3A_9, %add3A_13 : i32
    %mul3A_15 = arith.constant 1 : i32
    %mul3A_16 = arith.muli %mul3A_15, %select_n3A : i32
    "tpu.region"() ({
      %run_scoped3A = memref.alloca() : memref<2x1x128xi32, #tpu.memory_space<vmem>>
      %run_scoped3A_17 = tpu.sem_alloc : memref<2x!tpu.dma_semaphore, #tpu.memory_space<semaphore_mem>>
      %run_scoped3A_18 = memref.alloca() : memref<2x128x384xf32, #tpu.memory_space<vmem>>
      %run_scoped3A_19 = tpu.sem_alloc : memref<2x!tpu.dma_semaphore, #tpu.memory_space<semaphore_mem>>
      %gt3A = arith.constant 0 : i32
      %gt3A_20 = arith.cmpi sgt, %mul3A_16, %gt3A : i32
      %convert_element_type3A = arith.extui %gt3A_20 : i1 to i32
      %cond3A = arith.constant 0 : i32
      %cond3A_21 = arith.cmpi ne, %convert_element_type3A, %cond3A : i32
      scf.if %cond3A_21 {
        %mul3A_22 = arith.constant 1 : i32
        %mul3A_23 = arith.muli %mul3A_22, %select_n3A : i32
        %sub3A = arith.constant 1 : i32
        %sub3A_24 = arith.subi %mul3A_23, %sub3A : i32
        %eq3A = arith.constant 0 : i32
        %eq3A_25 = arith.cmpi eq, %sub3A_24, %eq3A : i32
        %add3A_26 = arith.constant 0 : i32
        %add3A_27 = arith.addi %add3A_26, %select_n3A_14 : i32
        %select_n3A_28 = arith.constant true
        %select_n3A_29 = arith.constant 0 : i32
        %select_n3A_30 = arith.constant -1 : i32
        %select_n3A_31 = arith.select %select_n3A_28, %select_n3A_30, %select_n3A_29 : i32
        %eq3A_32 = arith.constant -1 : i32
        %eq3A_33 = arith.cmpi eq, %select_n3A_31, %eq3A_32 : i32
        %sub3A_34 = arith.constant 1 : i32
        %sub3A_35 = arith.subi %select_n3A, %sub3A_34 : i32
        %select_n3A_36 = arith.select %eq3A_33, %sub3A_35, %select_n3A_31 : i32
        %add3A_37 = arith.addi %select_n3A_36, %select_n3A_14 : i32
        %select_n3A_38 = arith.constant true
        %select_n3A_39 = arith.constant 0 : i32
        %select_n3A_40 = arith.constant 1 : i32
        %select_n3A_41 = arith.select %select_n3A_38, %select_n3A_40, %select_n3A_39 : i32
        %eq3A_42 = arith.cmpi eq, %select_n3A_41, %select_n3A : i32
        %select_n3A_43 = arith.constant 0 : i32
        %select_n3A_44 = arith.select %eq3A_42, %select_n3A_43, %select_n3A_41 : i32
        %add3A_45 = arith.addi %select_n3A_44, %select_n3A_14 : i32
        %add3A_46 = arith.constant 1 : i32
        %add3A_47 = arith.addi %select_n3A_44, %add3A_46 : i32
        %select_n3A_48 = arith.constant true
        %select_n3A_49 = arith.select %select_n3A_48, %add3A_47, %select_n3A_44 : i32
        %eq3A_50 = arith.cmpi eq, %select_n3A_49, %select_n3A : i32
        %select_n3A_51 = arith.constant 0 : i32
        %select_n3A_52 = arith.select %eq3A_50, %select_n3A_51, %select_n3A_49 : i32
        %add3A_53 = arith.addi %select_n3A_52, %select_n3A_14 : i32
        "tpu.trace_start"() <{level = 10 : i32, message = "ep_initialize_0"}> : () -> ()
        %rem3A = arith.constant 0 : i32
        %rem3A_54 = arith.constant 2 : i32
        %rem3A_55 = arith.remui %rem3A, %rem3A_54 : i32
        %mul3A_56 = arith.constant 128 : i32
        %mul3A_57 = arith.muli %mul3A_56, %add3A_27 : i32
        %dma_start3A = arith.constant 0 : i32
        %dma_start3A_58 = arith.constant 0 : i32
        %dma_start3A_59 = tpu.memref_slice %run_scoped3A[%rem3A_55, %dma_start3A, %dma_start3A_58] : memref<2x1x128xi32, #tpu.memory_space<vmem>> -> memref<1x1x128xi32, #tpu.memory_space<vmem>>
        %dma_start3A_60 = tpu.memref_squeeze %dma_start3A_59 : memref<1x1x128xi32, #tpu.memory_space<vmem>> -> memref<1x128xi32, #tpu.memory_space<vmem>>
        %dma_start3A_61 = arith.constant 0 : i32
        %dma_start3A_62 = tpu.memref_slice %arg3[%dma_start3A_61, %mul3A_57] : memref<1x3072xi32, #tpu.memory_space<hbm>> -> memref<1x128xi32, #tpu.memory_space<hbm>>
        %dma_start3A_63 = tpu.memref_slice %run_scoped3A_17[%rem3A_55] : memref<2x!tpu.dma_semaphore, #tpu.memory_space<semaphore_mem>> -> memref<1x!tpu.dma_semaphore, #tpu.memory_space<semaphore_mem>>
        %dma_start3A_64 = tpu.memref_squeeze %dma_start3A_63 : memref<1x!tpu.dma_semaphore, #tpu.memory_space<semaphore_mem>> -> memref<!tpu.dma_semaphore, #tpu.memory_space<semaphore_mem>>
        %dma_start3A_65 = arith.constant 0 : i32
        %dma_start3A_66 = arith.constant 0 : i32
        %dma_start3A_67 = tpu.memref_slice %run_scoped3A[%rem3A_55, %dma_start3A_65, %dma_start3A_66] : memref<2x1x128xi32, #tpu.memory_space<vmem>> -> memref<1x1x128xi32, #tpu.memory_space<vmem>>
        %dma_start3A_68 = tpu.memref_squeeze %dma_start3A_67 : memref<1x1x128xi32, #tpu.memory_space<vmem>> -> memref<1x128xi32, #tpu.memory_space<vmem>>
        %dma_start3A_69 = arith.constant 0 : i32
        %dma_start3A_70 = tpu.memref_slice %arg3[%dma_start3A_69, %mul3A_57] : memref<1x3072xi32, #tpu.memory_space<hbm>> -> memref<1x128xi32, #tpu.memory_space<hbm>>
        tpu.enqueue_dma source(%dma_start3A_70 : memref<1x128xi32, #tpu.memory_space<hbm>>) target(%dma_start3A_68 : memref<1x128xi32, #tpu.memory_space<vmem>>) target_semaphore(%dma_start3A_64 : memref<!tpu.dma_semaphore, #tpu.memory_space<semaphore_mem>>)
        %add3A_71 = arith.constant 0 : i32
        %add3A_72 = arith.constant 1 : i32
        %add3A_73 = arith.addi %add3A_71, %add3A_72 : i32
        %select_n3A_74 = arith.constant true
        %select_n3A_75 = arith.constant 0 : i32
        %select_n3A_76 = arith.select %select_n3A_74, %add3A_73, %select_n3A_75 : i32
        %while3A = arith.constant 0 : i32
        %while3A_77 = arith.constant 0 : i32
        %while3A_78 = arith.constant 0 : i32
        %while3A_79 = arith.constant 0 : i32
        %while3A_80 = arith.constant 0 : i32
        "tpu.trace_stop"() : () -> ()
        %while3A_81 = arith.subi %mul3A_16, %while3A : i32
        %while3A_82 = arith.addi %while3A, %while3A_81 : i32
        %while3A_83 = arith.constant 1 : i32
        %while3A_84 = arith.divsi %while3A_81, %while3A_83 : i32
        %while3A_85 = arith.muli %while3A_84, %while3A_83 : i32
        %while3A_86 = arith.addi %while3A, %while3A_85 : i32
        %while3A_87 = arith.constant 1 : i32
        %while3A_88:5 = scf.for %while3A_142 = %while3A to %while3A_86 step %while3A_87 iter_args(%while3A_143 = %select_n3A_76, %while3A_144 = %while3A_77, %while3A_145 = %while3A_78, %while3A_146 = %while3A_79, %while3A_147 = %while3A_80) -> (i32, i32, i32, i32, i32)  : i32 {
          %mul3A_148 = arith.constant 1 : i32
          %mul3A_149 = arith.muli %mul3A_148, %select_n3A : i32
          %eq3A_150 = arith.constant 0 : i32
          %eq3A_151 = arith.cmpi eq, %while3A_142, %eq3A_150 : i32
          %sub3A_152 = arith.constant 1 : i32
          %sub3A_153 = arith.subi %mul3A_149, %sub3A_152 : i32
          %eq3A_154 = arith.cmpi eq, %while3A_142, %sub3A_153 : i32
          %add3A_155 = arith.addi %while3A_147, %select_n3A_14 : i32
          %sub3A_156 = arith.constant 1 : i32
          %sub3A_157 = arith.subi %while3A_147, %sub3A_156 : i32
          %select_n3A_158 = arith.constant true
          %select_n3A_159 = arith.select %select_n3A_158, %sub3A_157, %while3A_147 : i32
          %eq3A_160 = arith.constant -1 : i32
          %eq3A_161 = arith.cmpi eq, %select_n3A_159, %eq3A_160 : i32
          %sub3A_162 = arith.constant 1 : i32
          %sub3A_163 = arith.subi %select_n3A, %sub3A_162 : i32
          %select_n3A_164 = arith.select %eq3A_161, %sub3A_163, %select_n3A_159 : i32
          %add3A_165 = arith.addi %select_n3A_164, %select_n3A_14 : i32
          %add3A_166 = arith.constant 1 : i32
          %add3A_167 = arith.addi %while3A_147, %add3A_166 : i32
          %select_n3A_168 = arith.constant true
          %select_n3A_169 = arith.select %select_n3A_168, %add3A_167, %while3A_147 : i32
          %eq3A_170 = arith.cmpi eq, %select_n3A_169, %select_n3A : i32
          %select_n3A_171 = arith.constant 0 : i32
          %select_n3A_172 = arith.select %eq3A_170, %select_n3A_171, %select_n3A_169 : i32
          %add3A_173 = arith.addi %select_n3A_172, %select_n3A_14 : i32
          %add3A_174 = arith.constant 1 : i32
          %add3A_175 = arith.addi %select_n3A_172, %add3A_174 : i32
          %select_n3A_176 = arith.constant true
          %select_n3A_177 = arith.select %select_n3A_176, %add3A_175, %select_n3A_172 : i32
          %eq3A_178 = arith.cmpi eq, %select_n3A_177, %select_n3A : i32
          %select_n3A_179 = arith.constant 0 : i32
          %select_n3A_180 = arith.select %eq3A_178, %select_n3A_179, %select_n3A_177 : i32
          %add3A_181 = arith.addi %select_n3A_180, %select_n3A_14 : i32
          %ne3A = arith.cmpi ne, %add3A_155, %add3A_173 : i32
          %or3A = arith.constant false
          %or3A_182 = arith.ori %or3A, %ne3A : i1
          %sub3A_183 = arith.constant 2 : i32
          %sub3A_184 = arith.subi %mul3A_149, %sub3A_183 : i32
          %add3A_185 = arith.constant 1 : i32
          %add3A_186 = arith.addi %sub3A_184, %add3A_185 : i32
          %ge3A = arith.cmpi sge, %while3A_142, %add3A_186 : i32
          %not3A = arith.constant true
          %not3A_187 = arith.xori %ge3A, %not3A : i1
          %and3A = arith.andi %or3A_182, %not3A_187 : i1
          %convert_element_type3A_188 = arith.extui %and3A : i1 to i32
          %cond3A_189 = arith.constant 0 : i32
          %cond3A_190 = arith.cmpi ne, %convert_element_type3A_188, %cond3A_189 : i32
          scf.if %cond3A_190 {
            "tpu.trace_start"() <{level = 10 : i32, message = "ep_copy_in"}> : () -> ()
            %rem3A_294 = arith.constant 2 : i32
            %rem3A_295 = arith.remui %while3A_143, %rem3A_294 : i32
            %mul3A_296 = arith.constant 128 : i32
            %mul3A_297 = arith.muli %mul3A_296, %add3A_173 : i32
            %dma_start3A_298 = arith.constant 0 : i32
            %dma_start3A_299 = arith.constant 0 : i32
            %dma_start3A_300 = tpu.memref_slice %run_scoped3A[%rem3A_295, %dma_start3A_298, %dma_start3A_299] : memref<2x1x128xi32, #tpu.memory_space<vmem>> -> memref<1x1x128xi32, #tpu.memory_space<vmem>>
            %dma_start3A_301 = tpu.memref_squeeze %dma_start3A_300 : memref<1x1x128xi32, #tpu.memory_space<vmem>> -> memref<1x128xi32, #tpu.memory_space<vmem>>
            %dma_start3A_302 = arith.constant 0 : i32
            %dma_start3A_303 = tpu.memref_slice %arg3[%dma_start3A_302, %mul3A_297] : memref<1x3072xi32, #tpu.memory_space<hbm>> -> memref<1x128xi32, #tpu.memory_space<hbm>>
            %dma_start3A_304 = tpu.memref_slice %run_scoped3A_17[%rem3A_295] : memref<2x!tpu.dma_semaphore, #tpu.memory_space<semaphore_mem>> -> memref<1x!tpu.dma_semaphore, #tpu.memory_space<semaphore_mem>>
            %dma_start3A_305 = tpu.memref_squeeze %dma_start3A_304 : memref<1x!tpu.dma_semaphore, #tpu.memory_space<semaphore_mem>> -> memref<!tpu.dma_semaphore, #tpu.memory_space<semaphore_mem>>
            %dma_start3A_306 = arith.constant 0 : i32
            %dma_start3A_307 = arith.constant 0 : i32
            %dma_start3A_308 = tpu.memref_slice %run_scoped3A[%rem3A_295, %dma_start3A_306, %dma_start3A_307] : memref<2x1x128xi32, #tpu.memory_space<vmem>> -> memref<1x1x128xi32, #tpu.memory_space<vmem>>
            %dma_start3A_309 = tpu.memref_squeeze %dma_start3A_308 : memref<1x1x128xi32, #tpu.memory_space<vmem>> -> memref<1x128xi32, #tpu.memory_space<vmem>>
            %dma_start3A_310 = arith.constant 0 : i32
            %dma_start3A_311 = tpu.memref_slice %arg3[%dma_start3A_310, %mul3A_297] : memref<1x3072xi32, #tpu.memory_space<hbm>> -> memref<1x128xi32, #tpu.memory_space<hbm>>
            tpu.enqueue_dma source(%dma_start3A_311 : memref<1x128xi32, #tpu.memory_space<hbm>>) target(%dma_start3A_309 : memref<1x128xi32, #tpu.memory_space<vmem>>) target_semaphore(%dma_start3A_305 : memref<!tpu.dma_semaphore, #tpu.memory_space<semaphore_mem>>)
            "tpu.trace_stop"() : () -> ()
          } else {
          }
          %and3A_191 = arith.constant true
          %and3A_192 = arith.andi %and3A, %and3A_191 : i1
          %add3A_193 = arith.constant 1 : i32
          %add3A_194 = arith.addi %while3A_143, %add3A_193 : i32
          %select_n3A_195 = arith.select %and3A_192, %add3A_194, %while3A_143 : i32
          %ne3A_196 = arith.cmpi ne, %add3A_155, %add3A_173 : i32
          %or3A_197 = arith.constant false
          %or3A_198 = arith.ori %or3A_197, %ne3A_196 : i1
          %or3A_199 = arith.constant false
          %or3A_200 = arith.ori %or3A_198, %or3A_199 : i1
          %sub3A_201 = arith.constant 2 : i32
          %sub3A_202 = arith.subi %mul3A_149, %sub3A_201 : i32
          %add3A_203 = arith.constant 1 : i32
          %add3A_204 = arith.addi %sub3A_202, %add3A_203 : i32
          %ge3A_205 = arith.cmpi sge, %while3A_142, %add3A_204 : i32
          %not3A_206 = arith.constant true
          %not3A_207 = arith.xori %ge3A_205, %not3A_206 : i1
          %and3A_208 = arith.andi %or3A_200, %not3A_207 : i1
          %ne3A_209 = arith.cmpi ne, %add3A_155, %add3A_165 : i32
          %or3A_210 = arith.constant false
          %or3A_211 = arith.ori %or3A_210, %ne3A_209 : i1
          %or3A_212 = arith.ori %or3A_211, %eq3A_151 : i1
          %convert_element_type3A_213 = arith.extui %or3A_212 : i1 to i32
          %cond3A_214 = arith.constant 0 : i32
          %cond3A_215 = arith.cmpi ne, %convert_element_type3A_213, %cond3A_214 : i32
          scf.if %cond3A_215 {
            "tpu.trace_start"() <{level = 10 : i32, message = "ep_wait_in"}> : () -> ()
            %mul3A_294 = arith.constant 128 : i32
            %mul3A_295 = arith.muli %mul3A_294, %add3A_155 : i32
            %rem3A_296 = arith.constant 2 : i32
            %rem3A_297 = arith.remui %while3A_144, %rem3A_296 : i32
            %dma_wait3A = arith.constant 0 : i32
            %dma_wait3A_298 = arith.constant 0 : i32
            %dma_wait3A_299 = tpu.memref_slice %run_scoped3A[%rem3A_297, %dma_wait3A, %dma_wait3A_298] : memref<2x1x128xi32, #tpu.memory_space<vmem>> -> memref<1x1x128xi32, #tpu.memory_space<vmem>>
            %dma_wait3A_300 = tpu.memref_squeeze %dma_wait3A_299 : memref<1x1x128xi32, #tpu.memory_space<vmem>> -> memref<1x128xi32, #tpu.memory_space<vmem>>
            %dma_wait3A_301 = arith.constant 0 : i32
            %dma_wait3A_302 = tpu.memref_slice %arg3[%dma_wait3A_301, %mul3A_295] : memref<1x3072xi32, #tpu.memory_space<hbm>> -> memref<1x128xi32, #tpu.memory_space<hbm>>
            %dma_wait3A_303 = tpu.memref_slice %run_scoped3A_17[%rem3A_297] : memref<2x!tpu.dma_semaphore, #tpu.memory_space<semaphore_mem>> -> memref<1x!tpu.dma_semaphore, #tpu.memory_space<semaphore_mem>>
            %dma_wait3A_304 = tpu.memref_squeeze %dma_wait3A_303 : memref<1x!tpu.dma_semaphore, #tpu.memory_space<semaphore_mem>> -> memref<!tpu.dma_semaphore, #tpu.memory_space<semaphore_mem>>
            %dma_wait3A_305 = arith.constant 0 : i32
            %dma_wait3A_306 = arith.constant 0 : i32
            %dma_wait3A_307 = tpu.memref_slice %run_scoped3A[%rem3A_297, %dma_wait3A_305, %dma_wait3A_306] : memref<2x1x128xi32, #tpu.memory_space<vmem>> -> memref<1x1x128xi32, #tpu.memory_space<vmem>>
            %dma_wait3A_308 = tpu.memref_squeeze %dma_wait3A_307 : memref<1x1x128xi32, #tpu.memory_space<vmem>> -> memref<1x128xi32, #tpu.memory_space<vmem>>
            %dma_wait3A_309 = arith.constant 0 : i32
            %dma_wait3A_310 = tpu.memref_slice %arg3[%dma_wait3A_309, %mul3A_295] : memref<1x3072xi32, #tpu.memory_space<hbm>> -> memref<1x128xi32, #tpu.memory_space<hbm>>
            tpu.wait_dma2 semaphore(%dma_wait3A_304 : memref<!tpu.dma_semaphore, #tpu.memory_space<semaphore_mem>>) src(%dma_wait3A_310 : memref<1x128xi32, #tpu.memory_space<hbm>>) dst(%dma_wait3A_308 : memref<1x128xi32, #tpu.memory_space<vmem>>)
            "tpu.trace_stop"() : () -> ()
          } else {
          }
          %ne3A_216 = arith.cmpi ne, %add3A_155, %add3A_165 : i32
          %or3A_217 = arith.constant false
          %or3A_218 = arith.ori %or3A_217, %ne3A_216 : i1
          %or3A_219 = arith.constant false
          %or3A_220 = arith.ori %or3A_218, %or3A_219 : i1
          %or3A_221 = arith.ori %or3A_220, %eq3A_151 : i1
          %convert_element_type3A_222 = arith.extui %or3A_221 : i1 to i32
          %cond3A_223 = arith.constant 0 : i32
          %cond3A_224 = arith.cmpi ne, %convert_element_type3A_222, %cond3A_223 : i32
          scf.if %cond3A_224 {
          } else {
          }
          %rem3A_225 = arith.constant 2 : i32
          %rem3A_226 = arith.remui %while3A_144, %rem3A_225 : i32
          %rem3A_227 = arith.constant 2 : i32
          %rem3A_228 = arith.remui %while3A_145, %rem3A_227 : i32
          %run_scoped3A_229 = arith.constant 0 : i32
          "tpu.trace_start"() <{level = 10 : i32, message = "ep_run_kernel"}> : () -> ()
          "tpu.region"() ({
            %run_scoped3A_294 = tpu.sem_alloc : memref<!tpu.dma_semaphore, #tpu.memory_space<semaphore_mem>>
            %dma_start3A_295 = arith.constant 0 : i32
            %dma_start3A_296 = arith.constant 0 : i32
            %dma_start3A_297 = tpu.memref_slice %run_scoped3A_18[%rem3A_228, %dma_start3A_295, %dma_start3A_296] : memref<2x128x384xf32, #tpu.memory_space<vmem>> -> memref<1x128x384xf32, #tpu.memory_space<vmem>>
            %dma_start3A_298 = tpu.memref_squeeze %dma_start3A_297 : memref<1x128x384xf32, #tpu.memory_space<vmem>> -> memref<128x384xf32, #tpu.memory_space<vmem>>
            %dma_start3A_299 = arith.constant 0 : i32
            %dma_start3A_300 = arith.constant 0 : i32
            %dma_start3A_301 = tpu.memref_slice %run_scoped3A[%rem3A_226, %dma_start3A_299, %dma_start3A_300] : memref<2x1x128xi32, #tpu.memory_space<vmem>> -> memref<1x1x128xi32, #tpu.memory_space<vmem>>
            %dma_start3A_302 = tpu.memref_squeeze %dma_start3A_301 : memref<1x1x128xi32, #tpu.memory_space<vmem>> -> memref<1x128xi32, #tpu.memory_space<vmem>>
            %dma_start3A_303 = arith.constant 0 : i32
            %dma_start3A_304 = tpu.memref_slice %dma_start3A_302[%run_scoped3A_229, %dma_start3A_303] : memref<1x128xi32, #tpu.memory_space<vmem>> -> memref<1x128xi32, #tpu.memory_space<vmem>>
            %dma_start3A_305 = tpu.memref_squeeze %dma_start3A_304 : memref<1x128xi32, #tpu.memory_space<vmem>> -> memref<128xi32, #tpu.memory_space<vmem>>
            %dma_start3A_306 = arith.constant 0 : i32
            %dma_start3A_307 = arith.constant 0 : i32
            %dma_start3A_308 = tpu.memref_slice %arg2[%dma_start3A_306, %dma_start3A_307] : memref<100000x384xf32, #tpu.memory_space<hbm>> -> memref<100000x384xf32, #tpu.memory_space<hbm>>
            tpu.enqueue_indirect_dma source(%dma_start3A_308 : memref<100000x384xf32, #tpu.memory_space<hbm>>) target(%dma_start3A_298 : memref<128x384xf32, #tpu.memory_space<vmem>>) offsets(%dma_start3A_305 : memref<128xi32, #tpu.memory_space<vmem>>) semaphore(%run_scoped3A_294 : memref<!tpu.dma_semaphore, #tpu.memory_space<semaphore_mem>>)
            %dma_wait3A = arith.constant 0 : i32
            %dma_wait3A_309 = arith.constant 0 : i32
            %dma_wait3A_310 = tpu.memref_slice %run_scoped3A_18[%rem3A_228, %dma_wait3A, %dma_wait3A_309] : memref<2x128x384xf32, #tpu.memory_space<vmem>> -> memref<1x128x384xf32, #tpu.memory_space<vmem>>
            %dma_wait3A_311 = tpu.memref_squeeze %dma_wait3A_310 : memref<1x128x384xf32, #tpu.memory_space<vmem>> -> memref<128x384xf32, #tpu.memory_space<vmem>>
            %dma_wait3A_312 = arith.constant 0 : i32
            %dma_wait3A_313 = arith.constant 0 : i32
            %dma_wait3A_314 = tpu.memref_slice %run_scoped3A[%rem3A_226, %dma_wait3A_312, %dma_wait3A_313] : memref<2x1x128xi32, #tpu.memory_space<vmem>> -> memref<1x1x128xi32, #tpu.memory_space<vmem>>
            %dma_wait3A_315 = tpu.memref_squeeze %dma_wait3A_314 : memref<1x1x128xi32, #tpu.memory_space<vmem>> -> memref<1x128xi32, #tpu.memory_space<vmem>>
            %dma_wait3A_316 = arith.constant 0 : i32
            %dma_wait3A_317 = tpu.memref_slice %dma_wait3A_315[%run_scoped3A_229, %dma_wait3A_316] : memref<1x128xi32, #tpu.memory_space<vmem>> -> memref<1x128xi32, #tpu.memory_space<vmem>>
            %dma_wait3A_318 = tpu.memref_squeeze %dma_wait3A_317 : memref<1x128xi32, #tpu.memory_space<vmem>> -> memref<128xi32, #tpu.memory_space<vmem>>
            %dma_wait3A_319 = arith.constant 0 : i32
            %dma_wait3A_320 = arith.constant 0 : i32
            %dma_wait3A_321 = tpu.memref_slice %arg2[%dma_wait3A_319, %dma_wait3A_320] : memref<100000x384xf32, #tpu.memory_space<hbm>> -> memref<100000x384xf32, #tpu.memory_space<hbm>>
            tpu.wait_indirect_dma semaphore(%run_scoped3A_294 : memref<!tpu.dma_semaphore, #tpu.memory_space<semaphore_mem>>) src(%dma_wait3A_321 : memref<100000x384xf32, #tpu.memory_space<hbm>>) dst(%dma_wait3A_311 : memref<128x384xf32, #tpu.memory_space<vmem>>)
            tpu.yield
          }) : () -> ()
          "tpu.trace_stop"() : () -> ()
          %ne3A_230 = arith.cmpi ne, %add3A_155, %add3A_173 : i32
          %or3A_231 = arith.constant false
          %or3A_232 = arith.ori %or3A_231, %ne3A_230 : i1
          %or3A_233 = arith.ori %or3A_232, %eq3A_154 : i1
          %convert_element_type3A_234 = arith.extui %or3A_233 : i1 to i32
          %cond3A_235 = arith.constant 0 : i32
          %cond3A_236 = arith.cmpi ne, %convert_element_type3A_234, %cond3A_235 : i32
          scf.if %cond3A_236 {
          } else {
          }
          %and3A_237 = arith.constant false
          %and3A_238 = arith.andi %or3A_233, %and3A_237 : i1
          %ne3A_239 = arith.cmpi ne, %add3A_155, %add3A_173 : i32
          %or3A_240 = arith.constant false
          %or3A_241 = arith.ori %or3A_240, %ne3A_239 : i1
          %or3A_242 = arith.constant false
          %or3A_243 = arith.ori %or3A_241, %or3A_242 : i1
          %or3A_244 = arith.ori %or3A_243, %eq3A_154 : i1
          %convert_element_type3A_245 = arith.extui %or3A_244 : i1 to i32
          %cond3A_246 = arith.constant 0 : i32
          %cond3A_247 = arith.cmpi ne, %convert_element_type3A_245, %cond3A_246 : i32
          scf.if %cond3A_247 {
            "tpu.trace_start"() <{level = 10 : i32, message = "ep_copy_out"}> : () -> ()
            %rem3A_294 = arith.constant 2 : i32
            %rem3A_295 = arith.remui %while3A_145, %rem3A_294 : i32
            %mul3A_296 = arith.constant 128 : i32
            %mul3A_297 = arith.muli %mul3A_296, %add3A_155 : i32
            %dma_start3A_298 = arith.constant 0 : i32
            %dma_start3A_299 = arith.constant 0 : i32
            %dma_start3A_300 = tpu.memref_slice %run_scoped3A_18[%rem3A_295, %dma_start3A_298, %dma_start3A_299] : memref<2x128x384xf32, #tpu.memory_space<vmem>> -> memref<1x128x384xf32, #tpu.memory_space<vmem>>
            %dma_start3A_301 = tpu.memref_squeeze %dma_start3A_300 : memref<1x128x384xf32, #tpu.memory_space<vmem>> -> memref<128x384xf32, #tpu.memory_space<vmem>>
            %dma_start3A_302 = arith.constant 0 : i32
            %dma_start3A_303 = tpu.memref_slice %arg4[%mul3A_297, %dma_start3A_302] : memref<3072x384xf32, #tpu.memory_space<hbm>> -> memref<128x384xf32, #tpu.memory_space<hbm>>
            %dma_start3A_304 = tpu.memref_slice %run_scoped3A_19[%rem3A_295] : memref<2x!tpu.dma_semaphore, #tpu.memory_space<semaphore_mem>> -> memref<1x!tpu.dma_semaphore, #tpu.memory_space<semaphore_mem>>
            %dma_start3A_305 = tpu.memref_squeeze %dma_start3A_304 : memref<1x!tpu.dma_semaphore, #tpu.memory_space<semaphore_mem>> -> memref<!tpu.dma_semaphore, #tpu.memory_space<semaphore_mem>>
            %dma_start3A_306 = arith.constant 0 : i32
            %dma_start3A_307 = tpu.memref_slice %arg4[%mul3A_297, %dma_start3A_306] : memref<3072x384xf32, #tpu.memory_space<hbm>> -> memref<128x384xf32, #tpu.memory_space<hbm>>
            %dma_start3A_308 = arith.constant 0 : i32
            %dma_start3A_309 = arith.constant 0 : i32
            %dma_start3A_310 = tpu.memref_slice %run_scoped3A_18[%rem3A_295, %dma_start3A_308, %dma_start3A_309] : memref<2x128x384xf32, #tpu.memory_space<vmem>> -> memref<1x128x384xf32, #tpu.memory_space<vmem>>
            %dma_start3A_311 = tpu.memref_squeeze %dma_start3A_310 : memref<1x128x384xf32, #tpu.memory_space<vmem>> -> memref<128x384xf32, #tpu.memory_space<vmem>>
            tpu.enqueue_dma source(%dma_start3A_311 : memref<128x384xf32, #tpu.memory_space<vmem>>) target(%dma_start3A_307 : memref<128x384xf32, #tpu.memory_space<hbm>>) target_semaphore(%dma_start3A_305 : memref<!tpu.dma_semaphore, #tpu.memory_space<semaphore_mem>>)
            "tpu.trace_stop"() : () -> ()
          } else {
          }
          %and3A_248 = arith.constant true
          %and3A_249 = arith.andi %or3A_244, %and3A_248 : i1
          %add3A_250 = arith.constant 1 : i32
          %add3A_251 = arith.addi %while3A_145, %add3A_250 : i32
          %select_n3A_252 = arith.select %and3A_249, %add3A_251, %while3A_145 : i32
          %ne3A_253 = arith.cmpi ne, %add3A_155, %add3A_165 : i32
          %or3A_254 = arith.constant false
          %or3A_255 = arith.ori %or3A_254, %ne3A_253 : i1
          %not3A_256 = arith.constant true
          %not3A_257 = arith.xori %eq3A_151, %not3A_256 : i1
          %and3A_258 = arith.andi %or3A_255, %not3A_257 : i1
          %convert_element_type3A_259 = arith.extui %and3A_258 : i1 to i32
          %cond3A_260 = arith.constant 0 : i32
          %cond3A_261 = arith.cmpi ne, %convert_element_type3A_259, %cond3A_260 : i32
          scf.if %cond3A_261 {
          } else {
          }
          %and3A_262 = arith.constant false
          %and3A_263 = arith.andi %and3A_258, %and3A_262 : i1
          %ne3A_264 = arith.cmpi ne, %add3A_155, %add3A_165 : i32
          %or3A_265 = arith.constant false
          %or3A_266 = arith.ori %or3A_265, %ne3A_264 : i1
          %or3A_267 = arith.constant false
          %or3A_268 = arith.ori %or3A_266, %or3A_267 : i1
          %not3A_269 = arith.constant true
          %not3A_270 = arith.xori %eq3A_151, %not3A_269 : i1
          %and3A_271 = arith.andi %or3A_268, %not3A_270 : i1
          %convert_element_type3A_272 = arith.extui %and3A_271 : i1 to i32
          %cond3A_273 = arith.constant 0 : i32
          %cond3A_274 = arith.cmpi ne, %convert_element_type3A_272, %cond3A_273 : i32
          scf.if %cond3A_274 {
            "tpu.trace_start"() <{level = 10 : i32, message = "ep_wait_out"}> : () -> ()
            %rem3A_294 = arith.constant 2 : i32
            %rem3A_295 = arith.remui %while3A_146, %rem3A_294 : i32
            %mul3A_296 = arith.constant 128 : i32
            %mul3A_297 = arith.muli %mul3A_296, %add3A_165 : i32
            %dma_wait3A = arith.constant 0 : i32
            %dma_wait3A_298 = arith.constant 0 : i32
            %dma_wait3A_299 = tpu.memref_slice %run_scoped3A_18[%rem3A_295, %dma_wait3A, %dma_wait3A_298] : memref<2x128x384xf32, #tpu.memory_space<vmem>> -> memref<1x128x384xf32, #tpu.memory_space<vmem>>
            %dma_wait3A_300 = tpu.memref_squeeze %dma_wait3A_299 : memref<1x128x384xf32, #tpu.memory_space<vmem>> -> memref<128x384xf32, #tpu.memory_space<vmem>>
            %dma_wait3A_301 = arith.constant 0 : i32
            %dma_wait3A_302 = tpu.memref_slice %arg4[%mul3A_297, %dma_wait3A_301] : memref<3072x384xf32, #tpu.memory_space<hbm>> -> memref<128x384xf32, #tpu.memory_space<hbm>>
            %dma_wait3A_303 = tpu.memref_slice %run_scoped3A_19[%rem3A_295] : memref<2x!tpu.dma_semaphore, #tpu.memory_space<semaphore_mem>> -> memref<1x!tpu.dma_semaphore, #tpu.memory_space<semaphore_mem>>
            %dma_wait3A_304 = tpu.memref_squeeze %dma_wait3A_303 : memref<1x!tpu.dma_semaphore, #tpu.memory_space<semaphore_mem>> -> memref<!tpu.dma_semaphore, #tpu.memory_space<semaphore_mem>>
            %dma_wait3A_305 = arith.constant 0 : i32
            %dma_wait3A_306 = tpu.memref_slice %arg4[%mul3A_297, %dma_wait3A_305] : memref<3072x384xf32, #tpu.memory_space<hbm>> -> memref<128x384xf32, #tpu.memory_space<hbm>>
            %dma_wait3A_307 = arith.constant 0 : i32
            %dma_wait3A_308 = arith.constant 0 : i32
            %dma_wait3A_309 = tpu.memref_slice %run_scoped3A_18[%rem3A_295, %dma_wait3A_307, %dma_wait3A_308] : memref<2x128x384xf32, #tpu.memory_space<vmem>> -> memref<1x128x384xf32, #tpu.memory_space<vmem>>
            %dma_wait3A_310 = tpu.memref_squeeze %dma_wait3A_309 : memref<1x128x384xf32, #tpu.memory_space<vmem>> -> memref<128x384xf32, #tpu.memory_space<vmem>>
            tpu.wait_dma2 semaphore(%dma_wait3A_304 : memref<!tpu.dma_semaphore, #tpu.memory_space<semaphore_mem>>) src(%dma_wait3A_310 : memref<128x384xf32, #tpu.memory_space<vmem>>) dst(%dma_wait3A_306 : memref<128x384xf32, #tpu.memory_space<hbm>>)
            "tpu.trace_stop"() : () -> ()
          } else {
          }
          %and3A_275 = arith.constant true
          %and3A_276 = arith.andi %and3A_271, %and3A_275 : i1
          %add3A_277 = arith.constant 1 : i32
          %add3A_278 = arith.addi %while3A_146, %add3A_277 : i32
          %select_n3A_279 = arith.select %and3A_276, %add3A_278, %while3A_146 : i32
          %ne3A_280 = arith.cmpi ne, %add3A_155, %add3A_173 : i32
          %or3A_281 = arith.constant false
          %or3A_282 = arith.ori %or3A_281, %ne3A_280 : i1
          %or3A_283 = arith.ori %or3A_282, %eq3A_154 : i1
          %add3A_284 = arith.constant 1 : i32
          %add3A_285 = arith.addi %while3A_144, %add3A_284 : i32
          %select_n3A_286 = arith.select %or3A_283, %add3A_285, %while3A_144 : i32
          %add3A_287 = arith.constant 1 : i32
          %add3A_288 = arith.addi %while3A_147, %add3A_287 : i32
          %select_n3A_289 = arith.constant true
          %select_n3A_290 = arith.select %select_n3A_289, %add3A_288, %while3A_147 : i32
          %eq3A_291 = arith.cmpi eq, %select_n3A_290, %select_n3A : i32
          %select_n3A_292 = arith.constant 0 : i32
          %select_n3A_293 = arith.select %eq3A_291, %select_n3A_292, %select_n3A_290 : i32
          scf.yield %select_n3A_195, %select_n3A_286, %select_n3A_252, %select_n3A_279, %select_n3A_293 : i32, i32, i32, i32, i32
        }
        %while3A_89 = arith.constant 1 : i32
        %while3A_90:5 = scf.for %while3A_142 = %while3A_86 to %while3A_82 step %while3A_89 iter_args(%while3A_143 = %while3A_88#0, %while3A_144 = %while3A_88#1, %while3A_145 = %while3A_88#2, %while3A_146 = %while3A_88#3, %while3A_147 = %while3A_88#4) -> (i32, i32, i32, i32, i32)  : i32 {
          %mul3A_148 = arith.constant 1 : i32
          %mul3A_149 = arith.muli %mul3A_148, %select_n3A : i32
          %eq3A_150 = arith.constant 0 : i32
          %eq3A_151 = arith.cmpi eq, %while3A_142, %eq3A_150 : i32
          %sub3A_152 = arith.constant 1 : i32
          %sub3A_153 = arith.subi %mul3A_149, %sub3A_152 : i32
          %eq3A_154 = arith.cmpi eq, %while3A_142, %sub3A_153 : i32
          %add3A_155 = arith.addi %while3A_147, %select_n3A_14 : i32
          %sub3A_156 = arith.constant 1 : i32
          %sub3A_157 = arith.subi %while3A_147, %sub3A_156 : i32
          %select_n3A_158 = arith.constant true
          %select_n3A_159 = arith.select %select_n3A_158, %sub3A_157, %while3A_147 : i32
          %eq3A_160 = arith.constant -1 : i32
          %eq3A_161 = arith.cmpi eq, %select_n3A_159, %eq3A_160 : i32
          %sub3A_162 = arith.constant 1 : i32
          %sub3A_163 = arith.subi %select_n3A, %sub3A_162 : i32
          %select_n3A_164 = arith.select %eq3A_161, %sub3A_163, %select_n3A_159 : i32
          %add3A_165 = arith.addi %select_n3A_164, %select_n3A_14 : i32
          %add3A_166 = arith.constant 1 : i32
          %add3A_167 = arith.addi %while3A_147, %add3A_166 : i32
          %select_n3A_168 = arith.constant true
          %select_n3A_169 = arith.select %select_n3A_168, %add3A_167, %while3A_147 : i32
          %eq3A_170 = arith.cmpi eq, %select_n3A_169, %select_n3A : i32
          %select_n3A_171 = arith.constant 0 : i32
          %select_n3A_172 = arith.select %eq3A_170, %select_n3A_171, %select_n3A_169 : i32
          %add3A_173 = arith.addi %select_n3A_172, %select_n3A_14 : i32
          %add3A_174 = arith.constant 1 : i32
          %add3A_175 = arith.addi %select_n3A_172, %add3A_174 : i32
          %select_n3A_176 = arith.constant true
          %select_n3A_177 = arith.select %select_n3A_176, %add3A_175, %select_n3A_172 : i32
          %eq3A_178 = arith.cmpi eq, %select_n3A_177, %select_n3A : i32
          %select_n3A_179 = arith.constant 0 : i32
          %select_n3A_180 = arith.select %eq3A_178, %select_n3A_179, %select_n3A_177 : i32
          %add3A_181 = arith.addi %select_n3A_180, %select_n3A_14 : i32
          %ne3A = arith.cmpi ne, %add3A_155, %add3A_173 : i32
          %or3A = arith.constant false
          %or3A_182 = arith.ori %or3A, %ne3A : i1
          %sub3A_183 = arith.constant 2 : i32
          %sub3A_184 = arith.subi %mul3A_149, %sub3A_183 : i32
          %add3A_185 = arith.constant 1 : i32
          %add3A_186 = arith.addi %sub3A_184, %add3A_185 : i32
          %ge3A = arith.cmpi sge, %while3A_142, %add3A_186 : i32
          %not3A = arith.constant true
          %not3A_187 = arith.xori %ge3A, %not3A : i1
          %and3A = arith.andi %or3A_182, %not3A_187 : i1
          %convert_element_type3A_188 = arith.extui %and3A : i1 to i32
          %cond3A_189 = arith.constant 0 : i32
          %cond3A_190 = arith.cmpi ne, %convert_element_type3A_188, %cond3A_189 : i32
          scf.if %cond3A_190 {
            "tpu.trace_start"() <{level = 10 : i32, message = "ep_copy_in"}> : () -> ()
            %rem3A_294 = arith.constant 2 : i32
            %rem3A_295 = arith.remui %while3A_143, %rem3A_294 : i32
            %mul3A_296 = arith.constant 128 : i32
            %mul3A_297 = arith.muli %mul3A_296, %add3A_173 : i32
            %dma_start3A_298 = arith.constant 0 : i32
            %dma_start3A_299 = arith.constant 0 : i32
            %dma_start3A_300 = tpu.memref_slice %run_scoped3A[%rem3A_295, %dma_start3A_298, %dma_start3A_299] : memref<2x1x128xi32, #tpu.memory_space<vmem>> -> memref<1x1x128xi32, #tpu.memory_space<vmem>>
            %dma_start3A_301 = tpu.memref_squeeze %dma_start3A_300 : memref<1x1x128xi32, #tpu.memory_space<vmem>> -> memref<1x128xi32, #tpu.memory_space<vmem>>
            %dma_start3A_302 = arith.constant 0 : i32
            %dma_start3A_303 = tpu.memref_slice %arg3[%dma_start3A_302, %mul3A_297] : memref<1x3072xi32, #tpu.memory_space<hbm>> -> memref<1x128xi32, #tpu.memory_space<hbm>>
            %dma_start3A_304 = tpu.memref_slice %run_scoped3A_17[%rem3A_295] : memref<2x!tpu.dma_semaphore, #tpu.memory_space<semaphore_mem>> -> memref<1x!tpu.dma_semaphore, #tpu.memory_space<semaphore_mem>>
            %dma_start3A_305 = tpu.memref_squeeze %dma_start3A_304 : memref<1x!tpu.dma_semaphore, #tpu.memory_space<semaphore_mem>> -> memref<!tpu.dma_semaphore, #tpu.memory_space<semaphore_mem>>
            %dma_start3A_306 = arith.constant 0 : i32
            %dma_start3A_307 = arith.constant 0 : i32
            %dma_start3A_308 = tpu.memref_slice %run_scoped3A[%rem3A_295, %dma_start3A_306, %dma_start3A_307] : memref<2x1x128xi32, #tpu.memory_space<vmem>> -> memref<1x1x128xi32, #tpu.memory_space<vmem>>
            %dma_start3A_309 = tpu.memref_squeeze %dma_start3A_308 : memref<1x1x128xi32, #tpu.memory_space<vmem>> -> memref<1x128xi32, #tpu.memory_space<vmem>>
            %dma_start3A_310 = arith.constant 0 : i32
            %dma_start3A_311 = tpu.memref_slice %arg3[%dma_start3A_310, %mul3A_297] : memref<1x3072xi32, #tpu.memory_space<hbm>> -> memref<1x128xi32, #tpu.memory_space<hbm>>
            tpu.enqueue_dma source(%dma_start3A_311 : memref<1x128xi32, #tpu.memory_space<hbm>>) target(%dma_start3A_309 : memref<1x128xi32, #tpu.memory_space<vmem>>) target_semaphore(%dma_start3A_305 : memref<!tpu.dma_semaphore, #tpu.memory_space<semaphore_mem>>)
            "tpu.trace_stop"() : () -> ()
          } else {
          }
          %and3A_191 = arith.constant true
          %and3A_192 = arith.andi %and3A, %and3A_191 : i1
          %add3A_193 = arith.constant 1 : i32
          %add3A_194 = arith.addi %while3A_143, %add3A_193 : i32
          %select_n3A_195 = arith.select %and3A_192, %add3A_194, %while3A_143 : i32
          %ne3A_196 = arith.cmpi ne, %add3A_155, %add3A_173 : i32
          %or3A_197 = arith.constant false
          %or3A_198 = arith.ori %or3A_197, %ne3A_196 : i1
          %or3A_199 = arith.constant false
          %or3A_200 = arith.ori %or3A_198, %or3A_199 : i1
          %sub3A_201 = arith.constant 2 : i32
          %sub3A_202 = arith.subi %mul3A_149, %sub3A_201 : i32
          %add3A_203 = arith.constant 1 : i32
          %add3A_204 = arith.addi %sub3A_202, %add3A_203 : i32
          %ge3A_205 = arith.cmpi sge, %while3A_142, %add3A_204 : i32
          %not3A_206 = arith.constant true
          %not3A_207 = arith.xori %ge3A_205, %not3A_206 : i1
          %and3A_208 = arith.andi %or3A_200, %not3A_207 : i1
          %ne3A_209 = arith.cmpi ne, %add3A_155, %add3A_165 : i32
          %or3A_210 = arith.constant false
          %or3A_211 = arith.ori %or3A_210, %ne3A_209 : i1
          %or3A_212 = arith.ori %or3A_211, %eq3A_151 : i1
          %convert_element_type3A_213 = arith.extui %or3A_212 : i1 to i32
          %cond3A_214 = arith.constant 0 : i32
          %cond3A_215 = arith.cmpi ne, %convert_element_type3A_213, %cond3A_214 : i32
          scf.if %cond3A_215 {
            "tpu.trace_start"() <{level = 10 : i32, message = "ep_wait_in"}> : () -> ()
            %mul3A_294 = arith.constant 128 : i32
            %mul3A_295 = arith.muli %mul3A_294, %add3A_155 : i32
            %rem3A_296 = arith.constant 2 : i32
            %rem3A_297 = arith.remui %while3A_144, %rem3A_296 : i32
            %dma_wait3A = arith.constant 0 : i32
            %dma_wait3A_298 = arith.constant 0 : i32
            %dma_wait3A_299 = tpu.memref_slice %run_scoped3A[%rem3A_297, %dma_wait3A, %dma_wait3A_298] : memref<2x1x128xi32, #tpu.memory_space<vmem>> -> memref<1x1x128xi32, #tpu.memory_space<vmem>>
            %dma_wait3A_300 = tpu.memref_squeeze %dma_wait3A_299 : memref<1x1x128xi32, #tpu.memory_space<vmem>> -> memref<1x128xi32, #tpu.memory_space<vmem>>
            %dma_wait3A_301 = arith.constant 0 : i32
            %dma_wait3A_302 = tpu.memref_slice %arg3[%dma_wait3A_301, %mul3A_295] : memref<1x3072xi32, #tpu.memory_space<hbm>> -> memref<1x128xi32, #tpu.memory_space<hbm>>
            %dma_wait3A_303 = tpu.memref_slice %run_scoped3A_17[%rem3A_297] : memref<2x!tpu.dma_semaphore, #tpu.memory_space<semaphore_mem>> -> memref<1x!tpu.dma_semaphore, #tpu.memory_space<semaphore_mem>>
            %dma_wait3A_304 = tpu.memref_squeeze %dma_wait3A_303 : memref<1x!tpu.dma_semaphore, #tpu.memory_space<semaphore_mem>> -> memref<!tpu.dma_semaphore, #tpu.memory_space<semaphore_mem>>
            %dma_wait3A_305 = arith.constant 0 : i32
            %dma_wait3A_306 = arith.constant 0 : i32
            %dma_wait3A_307 = tpu.memref_slice %run_scoped3A[%rem3A_297, %dma_wait3A_305, %dma_wait3A_306] : memref<2x1x128xi32, #tpu.memory_space<vmem>> -> memref<1x1x128xi32, #tpu.memory_space<vmem>>
            %dma_wait3A_308 = tpu.memref_squeeze %dma_wait3A_307 : memref<1x1x128xi32, #tpu.memory_space<vmem>> -> memref<1x128xi32, #tpu.memory_space<vmem>>
            %dma_wait3A_309 = arith.constant 0 : i32
            %dma_wait3A_310 = tpu.memref_slice %arg3[%dma_wait3A_309, %mul3A_295] : memref<1x3072xi32, #tpu.memory_space<hbm>> -> memref<1x128xi32, #tpu.memory_space<hbm>>
            tpu.wait_dma2 semaphore(%dma_wait3A_304 : memref<!tpu.dma_semaphore, #tpu.memory_space<semaphore_mem>>) src(%dma_wait3A_310 : memref<1x128xi32, #tpu.memory_space<hbm>>) dst(%dma_wait3A_308 : memref<1x128xi32, #tpu.memory_space<vmem>>)
            "tpu.trace_stop"() : () -> ()
          } else {
          }
          %ne3A_216 = arith.cmpi ne, %add3A_155, %add3A_165 : i32
          %or3A_217 = arith.constant false
          %or3A_218 = arith.ori %or3A_217, %ne3A_216 : i1
          %or3A_219 = arith.constant false
          %or3A_220 = arith.ori %or3A_218, %or3A_219 : i1
          %or3A_221 = arith.ori %or3A_220, %eq3A_151 : i1
          %convert_element_type3A_222 = arith.extui %or3A_221 : i1 to i32
          %cond3A_223 = arith.constant 0 : i32
          %cond3A_224 = arith.cmpi ne, %convert_element_type3A_222, %cond3A_223 : i32
          scf.if %cond3A_224 {
          } else {
          }
          %rem3A_225 = arith.constant 2 : i32
          %rem3A_226 = arith.remui %while3A_144, %rem3A_225 : i32
          %rem3A_227 = arith.constant 2 : i32
          %rem3A_228 = arith.remui %while3A_145, %rem3A_227 : i32
          %run_scoped3A_229 = arith.constant 0 : i32
          "tpu.trace_start"() <{level = 10 : i32, message = "ep_run_kernel"}> : () -> ()
          "tpu.region"() ({
            %run_scoped3A_294 = tpu.sem_alloc : memref<!tpu.dma_semaphore, #tpu.memory_space<semaphore_mem>>
            %dma_start3A_295 = arith.constant 0 : i32
            %dma_start3A_296 = arith.constant 0 : i32
            %dma_start3A_297 = tpu.memref_slice %run_scoped3A_18[%rem3A_228, %dma_start3A_295, %dma_start3A_296] : memref<2x128x384xf32, #tpu.memory_space<vmem>> -> memref<1x128x384xf32, #tpu.memory_space<vmem>>
            %dma_start3A_298 = tpu.memref_squeeze %dma_start3A_297 : memref<1x128x384xf32, #tpu.memory_space<vmem>> -> memref<128x384xf32, #tpu.memory_space<vmem>>
            %dma_start3A_299 = arith.constant 0 : i32
            %dma_start3A_300 = arith.constant 0 : i32
            %dma_start3A_301 = tpu.memref_slice %run_scoped3A[%rem3A_226, %dma_start3A_299, %dma_start3A_300] : memref<2x1x128xi32, #tpu.memory_space<vmem>> -> memref<1x1x128xi32, #tpu.memory_space<vmem>>
            %dma_start3A_302 = tpu.memref_squeeze %dma_start3A_301 : memref<1x1x128xi32, #tpu.memory_space<vmem>> -> memref<1x128xi32, #tpu.memory_space<vmem>>
            %dma_start3A_303 = arith.constant 0 : i32
            %dma_start3A_304 = tpu.memref_slice %dma_start3A_302[%run_scoped3A_229, %dma_start3A_303] : memref<1x128xi32, #tpu.memory_space<vmem>> -> memref<1x128xi32, #tpu.memory_space<vmem>>
            %dma_start3A_305 = tpu.memref_squeeze %dma_start3A_304 : memref<1x128xi32, #tpu.memory_space<vmem>> -> memref<128xi32, #tpu.memory_space<vmem>>
            %dma_start3A_306 = arith.constant 0 : i32
            %dma_start3A_307 = arith.constant 0 : i32
            %dma_start3A_308 = tpu.memref_slice %arg2[%dma_start3A_306, %dma_start3A_307] : memref<100000x384xf32, #tpu.memory_space<hbm>> -> memref<100000x384xf32, #tpu.memory_space<hbm>>
            tpu.enqueue_indirect_dma source(%dma_start3A_308 : memref<100000x384xf32, #tpu.memory_space<hbm>>) target(%dma_start3A_298 : memref<128x384xf32, #tpu.memory_space<vmem>>) offsets(%dma_start3A_305 : memref<128xi32, #tpu.memory_space<vmem>>) semaphore(%run_scoped3A_294 : memref<!tpu.dma_semaphore, #tpu.memory_space<semaphore_mem>>)
            %dma_wait3A = arith.constant 0 : i32
            %dma_wait3A_309 = arith.constant 0 : i32
            %dma_wait3A_310 = tpu.memref_slice %run_scoped3A_18[%rem3A_228, %dma_wait3A, %dma_wait3A_309] : memref<2x128x384xf32, #tpu.memory_space<vmem>> -> memref<1x128x384xf32, #tpu.memory_space<vmem>>
            %dma_wait3A_311 = tpu.memref_squeeze %dma_wait3A_310 : memref<1x128x384xf32, #tpu.memory_space<vmem>> -> memref<128x384xf32, #tpu.memory_space<vmem>>
            %dma_wait3A_312 = arith.constant 0 : i32
            %dma_wait3A_313 = arith.constant 0 : i32
            %dma_wait3A_314 = tpu.memref_slice %run_scoped3A[%rem3A_226, %dma_wait3A_312, %dma_wait3A_313] : memref<2x1x128xi32, #tpu.memory_space<vmem>> -> memref<1x1x128xi32, #tpu.memory_space<vmem>>
            %dma_wait3A_315 = tpu.memref_squeeze %dma_wait3A_314 : memref<1x1x128xi32, #tpu.memory_space<vmem>> -> memref<1x128xi32, #tpu.memory_space<vmem>>
            %dma_wait3A_316 = arith.constant 0 : i32
            %dma_wait3A_317 = tpu.memref_slice %dma_wait3A_315[%run_scoped3A_229, %dma_wait3A_316] : memref<1x128xi32, #tpu.memory_space<vmem>> -> memref<1x128xi32, #tpu.memory_space<vmem>>
            %dma_wait3A_318 = tpu.memref_squeeze %dma_wait3A_317 : memref<1x128xi32, #tpu.memory_space<vmem>> -> memref<128xi32, #tpu.memory_space<vmem>>
            %dma_wait3A_319 = arith.constant 0 : i32
            %dma_wait3A_320 = arith.constant 0 : i32
            %dma_wait3A_321 = tpu.memref_slice %arg2[%dma_wait3A_319, %dma_wait3A_320] : memref<100000x384xf32, #tpu.memory_space<hbm>> -> memref<100000x384xf32, #tpu.memory_space<hbm>>
            tpu.wait_indirect_dma semaphore(%run_scoped3A_294 : memref<!tpu.dma_semaphore, #tpu.memory_space<semaphore_mem>>) src(%dma_wait3A_321 : memref<100000x384xf32, #tpu.memory_space<hbm>>) dst(%dma_wait3A_311 : memref<128x384xf32, #tpu.memory_space<vmem>>)
            tpu.yield
          }) : () -> ()
          "tpu.trace_stop"() : () -> ()
          %ne3A_230 = arith.cmpi ne, %add3A_155, %add3A_173 : i32
          %or3A_231 = arith.constant false
          %or3A_232 = arith.ori %or3A_231, %ne3A_230 : i1
          %or3A_233 = arith.ori %or3A_232, %eq3A_154 : i1
          %convert_element_type3A_234 = arith.extui %or3A_233 : i1 to i32
          %cond3A_235 = arith.constant 0 : i32
          %cond3A_236 = arith.cmpi ne, %convert_element_type3A_234, %cond3A_235 : i32
          scf.if %cond3A_236 {
          } else {
          }
          %and3A_237 = arith.constant false
          %and3A_238 = arith.andi %or3A_233, %and3A_237 : i1
          %ne3A_239 = arith.cmpi ne, %add3A_155, %add3A_173 : i32
          %or3A_240 = arith.constant false
          %or3A_241 = arith.ori %or3A_240, %ne3A_239 : i1
          %or3A_242 = arith.constant false
          %or3A_243 = arith.ori %or3A_241, %or3A_242 : i1
          %or3A_244 = arith.ori %or3A_243, %eq3A_154 : i1
          %convert_element_type3A_245 = arith.extui %or3A_244 : i1 to i32
          %cond3A_246 = arith.constant 0 : i32
          %cond3A_247 = arith.cmpi ne, %convert_element_type3A_245, %cond3A_246 : i32
          scf.if %cond3A_247 {
            "tpu.trace_start"() <{level = 10 : i32, message = "ep_copy_out"}> : () -> ()
            %rem3A_294 = arith.constant 2 : i32
            %rem3A_295 = arith.remui %while3A_145, %rem3A_294 : i32
            %mul3A_296 = arith.constant 128 : i32
            %mul3A_297 = arith.muli %mul3A_296, %add3A_155 : i32
            %dma_start3A_298 = arith.constant 0 : i32
            %dma_start3A_299 = arith.constant 0 : i32
            %dma_start3A_300 = tpu.memref_slice %run_scoped3A_18[%rem3A_295, %dma_start3A_298, %dma_start3A_299] : memref<2x128x384xf32, #tpu.memory_space<vmem>> -> memref<1x128x384xf32, #tpu.memory_space<vmem>>
            %dma_start3A_301 = tpu.memref_squeeze %dma_start3A_300 : memref<1x128x384xf32, #tpu.memory_space<vmem>> -> memref<128x384xf32, #tpu.memory_space<vmem>>
            %dma_start3A_302 = arith.constant 0 : i32
            %dma_start3A_303 = tpu.memref_slice %arg4[%mul3A_297, %dma_start3A_302] : memref<3072x384xf32, #tpu.memory_space<hbm>> -> memref<128x384xf32, #tpu.memory_space<hbm>>
            %dma_start3A_304 = tpu.memref_slice %run_scoped3A_19[%rem3A_295] : memref<2x!tpu.dma_semaphore, #tpu.memory_space<semaphore_mem>> -> memref<1x!tpu.dma_semaphore, #tpu.memory_space<semaphore_mem>>
            %dma_start3A_305 = tpu.memref_squeeze %dma_start3A_304 : memref<1x!tpu.dma_semaphore, #tpu.memory_space<semaphore_mem>> -> memref<!tpu.dma_semaphore, #tpu.memory_space<semaphore_mem>>
            %dma_start3A_306 = arith.constant 0 : i32
            %dma_start3A_307 = tpu.memref_slice %arg4[%mul3A_297, %dma_start3A_306] : memref<3072x384xf32, #tpu.memory_space<hbm>> -> memref<128x384xf32, #tpu.memory_space<hbm>>
            %dma_start3A_308 = arith.constant 0 : i32
            %dma_start3A_309 = arith.constant 0 : i32
            %dma_start3A_310 = tpu.memref_slice %run_scoped3A_18[%rem3A_295, %dma_start3A_308, %dma_start3A_309] : memref<2x128x384xf32, #tpu.memory_space<vmem>> -> memref<1x128x384xf32, #tpu.memory_space<vmem>>
            %dma_start3A_311 = tpu.memref_squeeze %dma_start3A_310 : memref<1x128x384xf32, #tpu.memory_space<vmem>> -> memref<128x384xf32, #tpu.memory_space<vmem>>
            tpu.enqueue_dma source(%dma_start3A_311 : memref<128x384xf32, #tpu.memory_space<vmem>>) target(%dma_start3A_307 : memref<128x384xf32, #tpu.memory_space<hbm>>) target_semaphore(%dma_start3A_305 : memref<!tpu.dma_semaphore, #tpu.memory_space<semaphore_mem>>)
            "tpu.trace_stop"() : () -> ()
          } else {
          }
          %and3A_248 = arith.constant true
          %and3A_249 = arith.andi %or3A_244, %and3A_248 : i1
          %add3A_250 = arith.constant 1 : i32
          %add3A_251 = arith.addi %while3A_145, %add3A_250 : i32
          %select_n3A_252 = arith.select %and3A_249, %add3A_251, %while3A_145 : i32
          %ne3A_253 = arith.cmpi ne, %add3A_155, %add3A_165 : i32
          %or3A_254 = arith.constant false
          %or3A_255 = arith.ori %or3A_254, %ne3A_253 : i1
          %not3A_256 = arith.constant true
          %not3A_257 = arith.xori %eq3A_151, %not3A_256 : i1
          %and3A_258 = arith.andi %or3A_255, %not3A_257 : i1
          %convert_element_type3A_259 = arith.extui %and3A_258 : i1 to i32
          %cond3A_260 = arith.constant 0 : i32
          %cond3A_261 = arith.cmpi ne, %convert_element_type3A_259, %cond3A_260 : i32
          scf.if %cond3A_261 {
          } else {
          }
          %and3A_262 = arith.constant false
          %and3A_263 = arith.andi %and3A_258, %and3A_262 : i1
          %ne3A_264 = arith.cmpi ne, %add3A_155, %add3A_165 : i32
          %or3A_265 = arith.constant false
          %or3A_266 = arith.ori %or3A_265, %ne3A_264 : i1
          %or3A_267 = arith.constant false
          %or3A_268 = arith.ori %or3A_266, %or3A_267 : i1
          %not3A_269 = arith.constant true
          %not3A_270 = arith.xori %eq3A_151, %not3A_269 : i1
          %and3A_271 = arith.andi %or3A_268, %not3A_270 : i1
          %convert_element_type3A_272 = arith.extui %and3A_271 : i1 to i32
          %cond3A_273 = arith.constant 0 : i32
          %cond3A_274 = arith.cmpi ne, %convert_element_type3A_272, %cond3A_273 : i32
          scf.if %cond3A_274 {
            "tpu.trace_start"() <{level = 10 : i32, message = "ep_wait_out"}> : () -> ()
            %rem3A_294 = arith.constant 2 : i32
            %rem3A_295 = arith.remui %while3A_146, %rem3A_294 : i32
            %mul3A_296 = arith.constant 128 : i32
            %mul3A_297 = arith.muli %mul3A_296, %add3A_165 : i32
            %dma_wait3A = arith.constant 0 : i32
            %dma_wait3A_298 = arith.constant 0 : i32
            %dma_wait3A_299 = tpu.memref_slice %run_scoped3A_18[%rem3A_295, %dma_wait3A, %dma_wait3A_298] : memref<2x128x384xf32, #tpu.memory_space<vmem>> -> memref<1x128x384xf32, #tpu.memory_space<vmem>>
            %dma_wait3A_300 = tpu.memref_squeeze %dma_wait3A_299 : memref<1x128x384xf32, #tpu.memory_space<vmem>> -> memref<128x384xf32, #tpu.memory_space<vmem>>
            %dma_wait3A_301 = arith.constant 0 : i32
            %dma_wait3A_302 = tpu.memref_slice %arg4[%mul3A_297, %dma_wait3A_301] : memref<3072x384xf32, #tpu.memory_space<hbm>> -> memref<128x384xf32, #tpu.memory_space<hbm>>
            %dma_wait3A_303 = tpu.memref_slice %run_scoped3A_19[%rem3A_295] : memref<2x!tpu.dma_semaphore, #tpu.memory_space<semaphore_mem>> -> memref<1x!tpu.dma_semaphore, #tpu.memory_space<semaphore_mem>>
            %dma_wait3A_304 = tpu.memref_squeeze %dma_wait3A_303 : memref<1x!tpu.dma_semaphore, #tpu.memory_space<semaphore_mem>> -> memref<!tpu.dma_semaphore, #tpu.memory_space<semaphore_mem>>
            %dma_wait3A_305 = arith.constant 0 : i32
            %dma_wait3A_306 = tpu.memref_slice %arg4[%mul3A_297, %dma_wait3A_305] : memref<3072x384xf32, #tpu.memory_space<hbm>> -> memref<128x384xf32, #tpu.memory_space<hbm>>
            %dma_wait3A_307 = arith.constant 0 : i32
            %dma_wait3A_308 = arith.constant 0 : i32
            %dma_wait3A_309 = tpu.memref_slice %run_scoped3A_18[%rem3A_295, %dma_wait3A_307, %dma_wait3A_308] : memref<2x128x384xf32, #tpu.memory_space<vmem>> -> memref<1x128x384xf32, #tpu.memory_space<vmem>>
            %dma_wait3A_310 = tpu.memref_squeeze %dma_wait3A_309 : memref<1x128x384xf32, #tpu.memory_space<vmem>> -> memref<128x384xf32, #tpu.memory_space<vmem>>
            tpu.wait_dma2 semaphore(%dma_wait3A_304 : memref<!tpu.dma_semaphore, #tpu.memory_space<semaphore_mem>>) src(%dma_wait3A_310 : memref<128x384xf32, #tpu.memory_space<vmem>>) dst(%dma_wait3A_306 : memref<128x384xf32, #tpu.memory_space<hbm>>)
            "tpu.trace_stop"() : () -> ()
          } else {
          }
          %and3A_275 = arith.constant true
          %and3A_276 = arith.andi %and3A_271, %and3A_275 : i1
          %add3A_277 = arith.constant 1 : i32
          %add3A_278 = arith.addi %while3A_146, %add3A_277 : i32
          %select_n3A_279 = arith.select %and3A_276, %add3A_278, %while3A_146 : i32
          %ne3A_280 = arith.cmpi ne, %add3A_155, %add3A_173 : i32
          %or3A_281 = arith.constant false
          %or3A_282 = arith.ori %or3A_281, %ne3A_280 : i1
          %or3A_283 = arith.ori %or3A_282, %eq3A_154 : i1
          %add3A_284 = arith.constant 1 : i32
          %add3A_285 = arith.addi %while3A_144, %add3A_284 : i32
          %select_n3A_286 = arith.select %or3A_283, %add3A_285, %while3A_144 : i32
          %add3A_287 = arith.constant 1 : i32
          %add3A_288 = arith.addi %while3A_147, %add3A_287 : i32
          %select_n3A_289 = arith.constant true
          %select_n3A_290 = arith.select %select_n3A_289, %add3A_288, %while3A_147 : i32
          %eq3A_291 = arith.cmpi eq, %select_n3A_290, %select_n3A : i32
          %select_n3A_292 = arith.constant 0 : i32
          %select_n3A_293 = arith.select %eq3A_291, %select_n3A_292, %select_n3A_290 : i32
          scf.yield %select_n3A_195, %select_n3A_286, %select_n3A_252, %select_n3A_279, %select_n3A_293 : i32, i32, i32, i32, i32
        }
        %sub3A_91 = arith.constant 1 : i32
        %sub3A_92 = arith.subi %while3A_90#4, %sub3A_91 : i32
        %select_n3A_93 = arith.constant true
        %select_n3A_94 = arith.select %select_n3A_93, %sub3A_92, %while3A_90#4 : i32
        %eq3A_95 = arith.constant -1 : i32
        %eq3A_96 = arith.cmpi eq, %select_n3A_94, %eq3A_95 : i32
        %sub3A_97 = arith.constant 1 : i32
        %sub3A_98 = arith.subi %select_n3A, %sub3A_97 : i32
        %select_n3A_99 = arith.select %eq3A_96, %sub3A_98, %select_n3A_94 : i32
        %sub3A_100 = arith.constant 1 : i32
        %sub3A_101 = arith.subi %mul3A_16, %sub3A_100 : i32
        %mul3A_102 = arith.constant 1 : i32
        %mul3A_103 = arith.muli %mul3A_102, %select_n3A : i32
        %eq3A_104 = arith.constant 0 : i32
        %eq3A_105 = arith.cmpi eq, %sub3A_101, %eq3A_104 : i32
        %sub3A_106 = arith.constant 1 : i32
        %sub3A_107 = arith.subi %mul3A_103, %sub3A_106 : i32
        %eq3A_108 = arith.cmpi eq, %sub3A_101, %sub3A_107 : i32
        %add3A_109 = arith.addi %select_n3A_99, %select_n3A_14 : i32
        %sub3A_110 = arith.constant 1 : i32
        %sub3A_111 = arith.subi %select_n3A_99, %sub3A_110 : i32
        %select_n3A_112 = arith.constant true
        %select_n3A_113 = arith.select %select_n3A_112, %sub3A_111, %select_n3A_99 : i32
        %eq3A_114 = arith.constant -1 : i32
        %eq3A_115 = arith.cmpi eq, %select_n3A_113, %eq3A_114 : i32
        %sub3A_116 = arith.constant 1 : i32
        %sub3A_117 = arith.subi %select_n3A, %sub3A_116 : i32
        %select_n3A_118 = arith.select %eq3A_115, %sub3A_117, %select_n3A_113 : i32
        %add3A_119 = arith.addi %select_n3A_118, %select_n3A_14 : i32
        %add3A_120 = arith.constant 1 : i32
        %add3A_121 = arith.addi %select_n3A_99, %add3A_120 : i32
        %select_n3A_122 = arith.constant true
        %select_n3A_123 = arith.select %select_n3A_122, %add3A_121, %select_n3A_99 : i32
        %eq3A_124 = arith.cmpi eq, %select_n3A_123, %select_n3A : i32
        %select_n3A_125 = arith.constant 0 : i32
        %select_n3A_126 = arith.select %eq3A_124, %select_n3A_125, %select_n3A_123 : i32
        %add3A_127 = arith.addi %select_n3A_126, %select_n3A_14 : i32
        %add3A_128 = arith.constant 1 : i32
        %add3A_129 = arith.addi %select_n3A_126, %add3A_128 : i32
        %select_n3A_130 = arith.constant true
        %select_n3A_131 = arith.select %select_n3A_130, %add3A_129, %select_n3A_126 : i32
        %eq3A_132 = arith.cmpi eq, %select_n3A_131, %select_n3A : i32
        %select_n3A_133 = arith.constant 0 : i32
        %select_n3A_134 = arith.select %eq3A_132, %select_n3A_133, %select_n3A_131 : i32
        %add3A_135 = arith.addi %select_n3A_134, %select_n3A_14 : i32
        %convert_element_type3A_136 = arith.extui %eq3A_108 : i1 to i32
        %cond3A_137 = arith.constant 0 : i32
        %cond3A_138 = arith.cmpi ne, %convert_element_type3A_136, %cond3A_137 : i32
        scf.if %cond3A_138 {
        } else {
        }
        %convert_element_type3A_139 = arith.extui %eq3A_108 : i1 to i32
        %cond3A_140 = arith.constant 0 : i32
        %cond3A_141 = arith.cmpi ne, %convert_element_type3A_139, %cond3A_140 : i32
        scf.if %cond3A_141 {
          "tpu.trace_start"() <{level = 10 : i32, message = "ep_finalize"}> : () -> ()
          %rem3A_142 = arith.constant 2 : i32
          %rem3A_143 = arith.remui %while3A_90#3, %rem3A_142 : i32
          %mul3A_144 = arith.constant 128 : i32
          %mul3A_145 = arith.muli %mul3A_144, %add3A_109 : i32
          %dma_wait3A = arith.constant 0 : i32
          %dma_wait3A_146 = arith.constant 0 : i32
          %dma_wait3A_147 = tpu.memref_slice %run_scoped3A_18[%rem3A_143, %dma_wait3A, %dma_wait3A_146] : memref<2x128x384xf32, #tpu.memory_space<vmem>> -> memref<1x128x384xf32, #tpu.memory_space<vmem>>
          %dma_wait3A_148 = tpu.memref_squeeze %dma_wait3A_147 : memref<1x128x384xf32, #tpu.memory_space<vmem>> -> memref<128x384xf32, #tpu.memory_space<vmem>>
          %dma_wait3A_149 = arith.constant 0 : i32
          %dma_wait3A_150 = tpu.memref_slice %arg4[%mul3A_145, %dma_wait3A_149] : memref<3072x384xf32, #tpu.memory_space<hbm>> -> memref<128x384xf32, #tpu.memory_space<hbm>>
          %dma_wait3A_151 = tpu.memref_slice %run_scoped3A_19[%rem3A_143] : memref<2x!tpu.dma_semaphore, #tpu.memory_space<semaphore_mem>> -> memref<1x!tpu.dma_semaphore, #tpu.memory_space<semaphore_mem>>
          %dma_wait3A_152 = tpu.memref_squeeze %dma_wait3A_151 : memref<1x!tpu.dma_semaphore, #tpu.memory_space<semaphore_mem>> -> memref<!tpu.dma_semaphore, #tpu.memory_space<semaphore_mem>>
          %dma_wait3A_153 = arith.constant 0 : i32
          %dma_wait3A_154 = tpu.memref_slice %arg4[%mul3A_145, %dma_wait3A_153] : memref<3072x384xf32, #tpu.memory_space<hbm>> -> memref<128x384xf32, #tpu.memory_space<hbm>>
          %dma_wait3A_155 = arith.constant 0 : i32
          %dma_wait3A_156 = arith.constant 0 : i32
          %dma_wait3A_157 = tpu.memref_slice %run_scoped3A_18[%rem3A_143, %dma_wait3A_155, %dma_wait3A_156] : memref<2x128x384xf32, #tpu.memory_space<vmem>> -> memref<1x128x384xf32, #tpu.memory_space<vmem>>
          %dma_wait3A_158 = tpu.memref_squeeze %dma_wait3A_157 : memref<1x128x384xf32, #tpu.memory_space<vmem>> -> memref<128x384xf32, #tpu.memory_space<vmem>>
          tpu.wait_dma2 semaphore(%dma_wait3A_152 : memref<!tpu.dma_semaphore, #tpu.memory_space<semaphore_mem>>) src(%dma_wait3A_158 : memref<128x384xf32, #tpu.memory_space<vmem>>) dst(%dma_wait3A_154 : memref<128x384xf32, #tpu.memory_space<hbm>>)
          "tpu.trace_stop"() : () -> ()
        } else {
        }
      } else {
      }
      tpu.yield
    }) : () -> ()
    return
  }
}

module attributes {stable_mosaic.version = 14 : i64} {
  func.func @_topk_kernel(%arg0: i32, %arg1: memref<1024x384xf32, #tpu.memory_space<vmem>>, %arg2: memref<4000x384xf32, #tpu.memory_space<vmem>>, %arg3: memref<8x1024xf32, #tpu.memory_space<vmem>>) attributes {dimension_semantics = [#tpu.dimension_semantics<arbitrary>], iteration_bounds = array<i64: 25>, scalar_prefetch = 0 : i64, scratch_operands = 0 : i64, tpu.core_type = #tpu.core_type<tc>, window_params = [{pipeline_mode = #tpu.pipeline_mode<synchronous>, transform_indices = @transform_0, window_bounds = array<i64: 1024, 384>}, {transform_indices = @transform_1, window_bounds = array<i64: 4000, 384>}, {pipeline_mode = #tpu.pipeline_mode<synchronous>, transform_indices = @transform_2, window_bounds = array<i64: 8, 1024>}]} {
    %eq3A = arith.constant 0 : i32
    %eq3A_0 = arith.cmpi eq, %arg0, %eq3A : i32
    %convert_element_type3A = arith.extui %eq3A_0 : i1 to i32
    %cond3A = arith.constant 0 : i32
    %cond3A_1 = arith.cmpi ne, %convert_element_type3A, %cond3A : i32
    scf.if %cond3A_1 {
      %broadcast_in_dim3A_132 = arith.constant 0xFF800000 : f32
      %broadcast_in_dim3A_133 = vector.broadcast %broadcast_in_dim3A_132 : f32 to vector<8x1024xf32>
      %swap3A_134 = arith.constant 0 : index
      %swap3A_135 = arith.constant 0 : index
      %swap3A_136 = vector.load %arg3[%swap3A_134, %swap3A_135] : memref<8x1024xf32, #tpu.memory_space<vmem>>, vector<8x1024xf32>
      tpu.vector_store %arg3[%swap3A_134, %swap3A_135], %broadcast_in_dim3A_133 {strides = array<i32>} : memref<8x1024xf32, #tpu.memory_space<vmem>>, vector<8x1024xf32>,
    } else {
    }
    %get3A = arith.constant 0 : index
    %get3A_2 = arith.constant 0 : index
    %get3A_3 = vector.load %arg2[%get3A, %get3A_2] : memref<4000x384xf32, #tpu.memory_space<vmem>>, vector<4000x384xf32>
    %get3A_4 = arith.constant 0 : index
    %get3A_5 = arith.constant 0 : index
    %get3A_6 = vector.load %arg1[%get3A_4, %get3A_5] : memref<1024x384xf32, #tpu.memory_space<vmem>>, vector<1024x384xf32>
    %dot_general3A = arith.constant dense<0.000000e+00> : vector<4000x1024xf32>
    %dot_general3A_7 = tpu.matmul %get3A_3, %get3A_6, %dot_general3A {dimension_numbers = #tpu.dot_dimension_numbers<[1], [1], [0], [0], [0, 0, 1, 0], [], []>, transpose_lhs_hint = false} : vector<4000x384xf32>, vector<1024x384xf32>, vector<4000x1024xf32> -> vector<4000x1024xf32>
    %iota3A = tpu.iota {dimensions = array<i32: 0>} : vector<4000x1024xi32>
    %mul3A = arith.constant 4000 : i32
    %mul3A_8 = arith.muli %arg0, %mul3A : i32
    %convert_element_type3A_9 = arith.sitofp %mul3A_8 : i32 to f32
    %reduce_max3A = arith.constant dense<0xFF800000> : vector<1024xf32>
    %reduce_max3A_10 = vector.multi_reduction <maximumf>, %dot_general3A_7, %reduce_max3A [0] : vector<4000x1024xf32> to vector<1024xf32>
    %broadcast_in_dim3A = vector.shape_cast %reduce_max3A_10 : vector<1024xf32> to vector<1x1024xf32>
    %argmax3A = tpu.reduce_index %dot_general3A_7 {axis = 0 : i32, kind = #tpu.reduction_kind<arg_max>} : vector<4000x1024xf32> -> vector<1024xi32>
    %broadcast_in_dim3A_11 = vector.shape_cast %argmax3A : vector<1024xi32> to vector<1x1024xi32>
    %convert_element_type3A_12 = arith.sitofp %broadcast_in_dim3A_11 : vector<1x1024xi32> to vector<1x1024xf32>
    %add3A = vector.broadcast %convert_element_type3A_9 : f32 to vector<1x1024xf32>
    %add3A_13 = arith.addf %convert_element_type3A_12, %add3A : vector<1x1024xf32>
    %eq3A_14 = vector.broadcast %broadcast_in_dim3A_11 : vector<1x1024xi32> to vector<4000x1024xi32>
    %eq3A_15 = arith.cmpi eq, %iota3A, %eq3A_14 : vector<4000x1024xi32>
    %jit3A = arith.constant 0xFF800000 : f32
    %broadcast_in_dim3A_16 = vector.broadcast %jit3A : f32 to vector<4000x1024xf32>
    %select_n3A = arith.select %eq3A_15, %broadcast_in_dim3A_16, %dot_general3A_7 : vector<4000x1024xi1>, vector<4000x1024xf32>
    %reduce_max3A_17 = arith.constant dense<0xFF800000> : vector<1024xf32>
    %reduce_max3A_18 = vector.multi_reduction <maximumf>, %select_n3A, %reduce_max3A_17 [0] : vector<4000x1024xf32> to vector<1024xf32>
    %broadcast_in_dim3A_19 = vector.shape_cast %reduce_max3A_18 : vector<1024xf32> to vector<1x1024xf32>
    %argmax3A_20 = tpu.reduce_index %select_n3A {axis = 0 : i32, kind = #tpu.reduction_kind<arg_max>} : vector<4000x1024xf32> -> vector<1024xi32>
    %broadcast_in_dim3A_21 = vector.shape_cast %argmax3A_20 : vector<1024xi32> to vector<1x1024xi32>
    %convert_element_type3A_22 = arith.sitofp %broadcast_in_dim3A_21 : vector<1x1024xi32> to vector<1x1024xf32>
    %add3A_23 = vector.broadcast %convert_element_type3A_9 : f32 to vector<1x1024xf32>
    %add3A_24 = arith.addf %convert_element_type3A_22, %add3A_23 : vector<1x1024xf32>
    %eq3A_25 = vector.broadcast %broadcast_in_dim3A_21 : vector<1x1024xi32> to vector<4000x1024xi32>
    %eq3A_26 = arith.cmpi eq, %iota3A, %eq3A_25 : vector<4000x1024xi32>
    %jit3A_27 = arith.constant 0xFF800000 : f32
    %broadcast_in_dim3A_28 = vector.broadcast %jit3A_27 : f32 to vector<4000x1024xf32>
    %select_n3A_29 = arith.select %eq3A_26, %broadcast_in_dim3A_28, %select_n3A : vector<4000x1024xi1>, vector<4000x1024xf32>
    %reduce_max3A_30 = arith.constant dense<0xFF800000> : vector<1024xf32>
    %reduce_max3A_31 = vector.multi_reduction <maximumf>, %select_n3A_29, %reduce_max3A_30 [0] : vector<4000x1024xf32> to vector<1024xf32>
    %broadcast_in_dim3A_32 = vector.shape_cast %reduce_max3A_31 : vector<1024xf32> to vector<1x1024xf32>
    %argmax3A_33 = tpu.reduce_index %select_n3A_29 {axis = 0 : i32, kind = #tpu.reduction_kind<arg_max>} : vector<4000x1024xf32> -> vector<1024xi32>
    %broadcast_in_dim3A_34 = vector.shape_cast %argmax3A_33 : vector<1024xi32> to vector<1x1024xi32>
    %convert_element_type3A_35 = arith.sitofp %broadcast_in_dim3A_34 : vector<1x1024xi32> to vector<1x1024xf32>
    %add3A_36 = vector.broadcast %convert_element_type3A_9 : f32 to vector<1x1024xf32>
    %add3A_37 = arith.addf %convert_element_type3A_35, %add3A_36 : vector<1x1024xf32>
    %get3A_38 = arith.constant 0 : index
    %get3A_39 = arith.constant 0 : index
    %get3A_40 = vector.load %arg3[%get3A_38, %get3A_39] : memref<8x1024xf32, #tpu.memory_space<vmem>>, vector<1x1024xf32>
    %get3A_41 = arith.constant 1 : index
    %get3A_42 = arith.constant 0 : index
    %get3A_43 = vector.load %arg3[%get3A_41, %get3A_42] : memref<8x1024xf32, #tpu.memory_space<vmem>>, vector<1x1024xf32>
    %get3A_44 = arith.constant 2 : index
    %get3A_45 = arith.constant 0 : index
    %get3A_46 = vector.load %arg3[%get3A_44, %get3A_45] : memref<8x1024xf32, #tpu.memory_space<vmem>>, vector<1x1024xf32>
    %get3A_47 = arith.constant 3 : index
    %get3A_48 = arith.constant 0 : index
    %get3A_49 = vector.load %arg3[%get3A_47, %get3A_48] : memref<8x1024xf32, #tpu.memory_space<vmem>>, vector<1x1024xf32>
    %get3A_50 = arith.constant 4 : index
    %get3A_51 = arith.constant 0 : index
    %get3A_52 = vector.load %arg3[%get3A_50, %get3A_51] : memref<8x1024xf32, #tpu.memory_space<vmem>>, vector<1x1024xf32>
    %get3A_53 = arith.constant 5 : index
    %get3A_54 = arith.constant 0 : index
    %get3A_55 = vector.load %arg3[%get3A_53, %get3A_54] : memref<8x1024xf32, #tpu.memory_space<vmem>>, vector<1x1024xf32>
    %gt3A = arith.cmpf ogt, %get3A_40, %broadcast_in_dim3A : vector<1x1024xf32>
    %eq3A_56 = arith.cmpf oeq, %get3A_40, %broadcast_in_dim3A : vector<1x1024xf32>
    %lt3A = arith.cmpf olt, %get3A_49, %add3A_13 : vector<1x1024xf32>
    %and3A = arith.andi %eq3A_56, %lt3A : vector<1x1024xi1>
    %or3A = arith.ori %gt3A, %and3A : vector<1x1024xi1>
    %select_n3A_57 = arith.select %or3A, %get3A_40, %broadcast_in_dim3A : vector<1x1024xi1>, vector<1x1024xf32>
    %select_n3A_58 = arith.select %or3A, %get3A_49, %add3A_13 : vector<1x1024xi1>, vector<1x1024xf32>
    %gt3A_59 = arith.cmpf ogt, %get3A_40, %broadcast_in_dim3A : vector<1x1024xf32>
    %eq3A_60 = arith.cmpf oeq, %get3A_40, %broadcast_in_dim3A : vector<1x1024xf32>
    %lt3A_61 = arith.cmpf olt, %get3A_49, %add3A_13 : vector<1x1024xf32>
    %and3A_62 = arith.andi %eq3A_60, %lt3A_61 : vector<1x1024xi1>
    %or3A_63 = arith.ori %gt3A_59, %and3A_62 : vector<1x1024xi1>
    %select_n3A_64 = arith.select %or3A_63, %broadcast_in_dim3A, %get3A_40 : vector<1x1024xi1>, vector<1x1024xf32>
    %select_n3A_65 = arith.select %or3A_63, %add3A_13, %get3A_49 : vector<1x1024xi1>, vector<1x1024xf32>
    %gt3A_66 = arith.cmpf ogt, %get3A_43, %broadcast_in_dim3A_19 : vector<1x1024xf32>
    %eq3A_67 = arith.cmpf oeq, %get3A_43, %broadcast_in_dim3A_19 : vector<1x1024xf32>
    %lt3A_68 = arith.cmpf olt, %get3A_52, %add3A_24 : vector<1x1024xf32>
    %and3A_69 = arith.andi %eq3A_67, %lt3A_68 : vector<1x1024xi1>
    %or3A_70 = arith.ori %gt3A_66, %and3A_69 : vector<1x1024xi1>
    %select_n3A_71 = arith.select %or3A_70, %get3A_43, %broadcast_in_dim3A_19 : vector<1x1024xi1>, vector<1x1024xf32>
    %select_n3A_72 = arith.select %or3A_70, %get3A_52, %add3A_24 : vector<1x1024xi1>, vector<1x1024xf32>
    %gt3A_73 = arith.cmpf ogt, %select_n3A_64, %select_n3A_71 : vector<1x1024xf32>
    %eq3A_74 = arith.cmpf oeq, %select_n3A_64, %select_n3A_71 : vector<1x1024xf32>
    %lt3A_75 = arith.cmpf olt, %select_n3A_65, %select_n3A_72 : vector<1x1024xf32>
    %and3A_76 = arith.andi %eq3A_74, %lt3A_75 : vector<1x1024xi1>
    %or3A_77 = arith.ori %gt3A_73, %and3A_76 : vector<1x1024xi1>
    %select_n3A_78 = arith.select %or3A_77, %select_n3A_64, %select_n3A_71 : vector<1x1024xi1>, vector<1x1024xf32>
    %select_n3A_79 = arith.select %or3A_77, %select_n3A_65, %select_n3A_72 : vector<1x1024xi1>, vector<1x1024xf32>
    %gt3A_80 = arith.cmpf ogt, %get3A_40, %broadcast_in_dim3A_19 : vector<1x1024xf32>
    %eq3A_81 = arith.cmpf oeq, %get3A_40, %broadcast_in_dim3A_19 : vector<1x1024xf32>
    %lt3A_82 = arith.cmpf olt, %get3A_49, %add3A_24 : vector<1x1024xf32>
    %and3A_83 = arith.andi %eq3A_81, %lt3A_82 : vector<1x1024xi1>
    %or3A_84 = arith.ori %gt3A_80, %and3A_83 : vector<1x1024xi1>
    %select_n3A_85 = arith.select %or3A_84, %broadcast_in_dim3A_19, %get3A_40 : vector<1x1024xi1>, vector<1x1024xf32>
    %select_n3A_86 = arith.select %or3A_84, %add3A_24, %get3A_49 : vector<1x1024xi1>, vector<1x1024xf32>
    %gt3A_87 = arith.cmpf ogt, %get3A_43, %broadcast_in_dim3A : vector<1x1024xf32>
    %eq3A_88 = arith.cmpf oeq, %get3A_43, %broadcast_in_dim3A : vector<1x1024xf32>
    %lt3A_89 = arith.cmpf olt, %get3A_52, %add3A_13 : vector<1x1024xf32>
    %and3A_90 = arith.andi %eq3A_88, %lt3A_89 : vector<1x1024xi1>
    %or3A_91 = arith.ori %gt3A_87, %and3A_90 : vector<1x1024xi1>
    %select_n3A_92 = arith.select %or3A_91, %broadcast_in_dim3A, %get3A_43 : vector<1x1024xi1>, vector<1x1024xf32>
    %select_n3A_93 = arith.select %or3A_91, %add3A_13, %get3A_52 : vector<1x1024xi1>, vector<1x1024xf32>
    %gt3A_94 = arith.cmpf ogt, %get3A_46, %broadcast_in_dim3A_32 : vector<1x1024xf32>
    %eq3A_95 = arith.cmpf oeq, %get3A_46, %broadcast_in_dim3A_32 : vector<1x1024xf32>
    %lt3A_96 = arith.cmpf olt, %get3A_55, %add3A_37 : vector<1x1024xf32>
    %and3A_97 = arith.andi %eq3A_95, %lt3A_96 : vector<1x1024xi1>
    %or3A_98 = arith.ori %gt3A_94, %and3A_97 : vector<1x1024xi1>
    %select_n3A_99 = arith.select %or3A_98, %get3A_46, %broadcast_in_dim3A_32 : vector<1x1024xi1>, vector<1x1024xf32>
    %select_n3A_100 = arith.select %or3A_98, %get3A_55, %add3A_37 : vector<1x1024xi1>, vector<1x1024xf32>
    %gt3A_101 = arith.cmpf ogt, %select_n3A_85, %select_n3A_92 : vector<1x1024xf32>
    %eq3A_102 = arith.cmpf oeq, %select_n3A_85, %select_n3A_92 : vector<1x1024xf32>
    %lt3A_103 = arith.cmpf olt, %select_n3A_86, %select_n3A_93 : vector<1x1024xf32>
    %and3A_104 = arith.andi %eq3A_102, %lt3A_103 : vector<1x1024xi1>
    %or3A_105 = arith.ori %gt3A_101, %and3A_104 : vector<1x1024xi1>
    %select_n3A_106 = arith.select %or3A_105, %select_n3A_85, %select_n3A_92 : vector<1x1024xi1>, vector<1x1024xf32>
    %select_n3A_107 = arith.select %or3A_105, %select_n3A_86, %select_n3A_93 : vector<1x1024xi1>, vector<1x1024xf32>
    %gt3A_108 = arith.cmpf ogt, %select_n3A_106, %select_n3A_99 : vector<1x1024xf32>
    %eq3A_109 = arith.cmpf oeq, %select_n3A_106, %select_n3A_99 : vector<1x1024xf32>
    %lt3A_110 = arith.cmpf olt, %select_n3A_107, %select_n3A_100 : vector<1x1024xf32>
    %and3A_111 = arith.andi %eq3A_109, %lt3A_110 : vector<1x1024xi1>
    %or3A_112 = arith.ori %gt3A_108, %and3A_111 : vector<1x1024xi1>
    %select_n3A_113 = arith.select %or3A_112, %select_n3A_106, %select_n3A_99 : vector<1x1024xi1>, vector<1x1024xf32>
    %select_n3A_114 = arith.select %or3A_112, %select_n3A_107, %select_n3A_100 : vector<1x1024xi1>, vector<1x1024xf32>
    %swap3A = arith.constant 0 : index
    %swap3A_115 = arith.constant 0 : index
    %swap3A_116 = vector.load %arg3[%swap3A, %swap3A_115] : memref<8x1024xf32, #tpu.memory_space<vmem>>, vector<1x1024xf32>
    tpu.vector_store %arg3[%swap3A, %swap3A_115], %select_n3A_57 {strides = array<i32>} : memref<8x1024xf32, #tpu.memory_space<vmem>>, vector<1x1024xf32>,
    %swap3A_117 = arith.constant 1 : index
    %swap3A_118 = arith.constant 0 : index
    %swap3A_119 = vector.load %arg3[%swap3A_117, %swap3A_118] : memref<8x1024xf32, #tpu.memory_space<vmem>>, vector<1x1024xf32>
    tpu.vector_store %arg3[%swap3A_117, %swap3A_118], %select_n3A_78 {strides = array<i32>} : memref<8x1024xf32, #tpu.memory_space<vmem>>, vector<1x1024xf32>,
    %swap3A_120 = arith.constant 2 : index
    %swap3A_121 = arith.constant 0 : index
    %swap3A_122 = vector.load %arg3[%swap3A_120, %swap3A_121] : memref<8x1024xf32, #tpu.memory_space<vmem>>, vector<1x1024xf32>
    tpu.vector_store %arg3[%swap3A_120, %swap3A_121], %select_n3A_113 {strides = array<i32>} : memref<8x1024xf32, #tpu.memory_space<vmem>>, vector<1x1024xf32>,
    %swap3A_123 = arith.constant 3 : index
    %swap3A_124 = arith.constant 0 : index
    %swap3A_125 = vector.load %arg3[%swap3A_123, %swap3A_124] : memref<8x1024xf32, #tpu.memory_space<vmem>>, vector<1x1024xf32>
    tpu.vector_store %arg3[%swap3A_123, %swap3A_124], %select_n3A_58 {strides = array<i32>} : memref<8x1024xf32, #tpu.memory_space<vmem>>, vector<1x1024xf32>,
    %swap3A_126 = arith.constant 4 : index
    %swap3A_127 = arith.constant 0 : index
    %swap3A_128 = vector.load %arg3[%swap3A_126, %swap3A_127] : memref<8x1024xf32, #tpu.memory_space<vmem>>, vector<1x1024xf32>
    tpu.vector_store %arg3[%swap3A_126, %swap3A_127], %select_n3A_79 {strides = array<i32>} : memref<8x1024xf32, #tpu.memory_space<vmem>>, vector<1x1024xf32>,
    %swap3A_129 = arith.constant 5 : index
    %swap3A_130 = arith.constant 0 : index
    %swap3A_131 = vector.load %arg3[%swap3A_129, %swap3A_130] : memref<8x1024xf32, #tpu.memory_space<vmem>>, vector<1x1024xf32>
    tpu.vector_store %arg3[%swap3A_129, %swap3A_130], %select_n3A_114 {strides = array<i32>} : memref<8x1024xf32, #tpu.memory_space<vmem>>, vector<1x1024xf32>,
    return
  }
  func.func @transform_0(%arg0: i32) -> (i32, i32) {
    %c0_i32 = arith.constant 0 : i32
    %c0_i32_0 = arith.constant 0 : i32
    %c0_i32_1 = arith.constant 0 : i32
    return %c0_i32, %c0_i32_0 : i32, i32
  }
  func.func @transform_1(%arg0: i32) -> (i32, i32) {
    %c0_i32 = arith.constant 0 : i32
    %c0_i32_0 = arith.constant 0 : i32
    return %arg0, %c0_i32 : i32, i32
  }
  func.func @transform_2(%arg0: i32) -> (i32, i32) {
    %c0_i32 = arith.constant 0 : i32
    %c0_i32_0 = arith.constant 0 : i32
    %c0_i32_1 = arith.constant 0 : i32
    return %c0_i32, %c0_i32_0 : i32, i32
  }
}

module attributes {stable_mosaic.version = 14 : i64} {
  func.func @_mlp_kernel(%arg0: memref<1024x768xf32, #tpu.memory_space<vmem>>, %arg1: memref<1024x768xf32, #tpu.memory_space<vmem>>, %arg2: memref<1024x384xf32, #tpu.memory_space<vmem>>, %arg3: memref<1536x1024xf32, #tpu.memory_space<vmem>>, %arg4: memref<1x1024xf32, #tpu.memory_space<vmem>>, %arg5: memref<1024x512xf32, #tpu.memory_space<vmem>>, %arg6: memref<1x512xf32, #tpu.memory_space<vmem>>, %arg7: memref<512x384xf32, #tpu.memory_space<vmem>>, %arg8: memref<1x384xf32, #tpu.memory_space<vmem>>, %arg9: memref<1024x384xf32, #tpu.memory_space<vmem>>, %arg10: memref<1024x384xf32, #tpu.memory_space<vmem>>, %arg11: memref<1x1xf32, #tpu.memory_space<vmem>>) attributes {dimension_semantics = [], scalar_prefetch = 0 : i64, scratch_operands = 0 : i64, tpu.core_type = #tpu.core_type<tc>} {
    %get3A = arith.constant 0 : index
    %get3A_0 = arith.constant 0 : index
    %get3A_1 = vector.load %arg0[%get3A, %get3A_0] : memref<1024x768xf32, #tpu.memory_space<vmem>>, vector<1024x768xf32>
    %get3A_2 = arith.constant 0 : index
    %get3A_3 = arith.constant 0 : index
    %get3A_4 = vector.load %arg3[%get3A_2, %get3A_3] : memref<1536x1024xf32, #tpu.memory_space<vmem>>, vector<768x1024xf32>
    %dot_general3A = arith.constant dense<0.000000e+00> : vector<1024x1024xf32>
    %dot_general3A_5 = tpu.matmul %get3A_1, %get3A_4, %dot_general3A {dimension_numbers = #tpu.dot_dimension_numbers<[1], [0], [0], [1], [0, 0, 1, 1], [], []>, transpose_lhs_hint = false} : vector<1024x768xf32>, vector<768x1024xf32>, vector<1024x1024xf32> -> vector<1024x1024xf32>
    %get3A_6 = arith.constant 0 : index
    %get3A_7 = arith.constant 0 : index
    %get3A_8 = vector.load %arg1[%get3A_6, %get3A_7] : memref<1024x768xf32, #tpu.memory_space<vmem>>, vector<1024x768xf32>
    %get3A_9 = arith.constant 768 : index
    %get3A_10 = arith.constant 0 : index
    %get3A_11 = vector.load %arg3[%get3A_9, %get3A_10] : memref<1536x1024xf32, #tpu.memory_space<vmem>>, vector<768x1024xf32>
    %dot_general3A_12 = arith.constant dense<0.000000e+00> : vector<1024x1024xf32>
    %dot_general3A_13 = tpu.matmul %get3A_8, %get3A_11, %dot_general3A_12 {dimension_numbers = #tpu.dot_dimension_numbers<[1], [0], [0], [1], [0, 0, 1, 1], [], []>, transpose_lhs_hint = false} : vector<1024x768xf32>, vector<768x1024xf32>, vector<1024x1024xf32> -> vector<1024x1024xf32>
    %add3A = arith.addf %dot_general3A_5, %dot_general3A_13 : vector<1024x1024xf32>
    %get3A_14 = arith.constant 0 : index
    %get3A_15 = arith.constant 0 : index
    %get3A_16 = vector.load %arg4[%get3A_14, %get3A_15] : memref<1x1024xf32, #tpu.memory_space<vmem>>, vector<1x1024xf32>
    %add3A_17 = vector.broadcast %get3A_16 : vector<1x1024xf32> to vector<1024x1024xf32>
    %add3A_18 = arith.addf %add3A, %add3A_17 : vector<1024x1024xf32>
    %max3A = arith.constant 0.000000e+00 : f32
    %max3A_19 = vector.broadcast %max3A : f32 to vector<1024x1024xf32>
    %max3A_20 = arith.maximumf %add3A_18, %max3A_19 : vector<1024x1024xf32>
    %get3A_21 = arith.constant 0 : index
    %get3A_22 = arith.constant 0 : index
    %get3A_23 = vector.load %arg5[%get3A_21, %get3A_22] : memref<1024x512xf32, #tpu.memory_space<vmem>>, vector<1024x512xf32>
    %dot_general3A_24 = arith.constant dense<0.000000e+00> : vector<1024x512xf32>
    %dot_general3A_25 = tpu.matmul %max3A_20, %get3A_23, %dot_general3A_24 {dimension_numbers = #tpu.dot_dimension_numbers<[1], [0], [0], [1], [0, 0, 1, 1], [], []>, transpose_lhs_hint = false} : vector<1024x1024xf32>, vector<1024x512xf32>, vector<1024x512xf32> -> vector<1024x512xf32>
    %get3A_26 = arith.constant 0 : index
    %get3A_27 = arith.constant 0 : index
    %get3A_28 = vector.load %arg6[%get3A_26, %get3A_27] : memref<1x512xf32, #tpu.memory_space<vmem>>, vector<1x512xf32>
    %add3A_29 = vector.broadcast %get3A_28 : vector<1x512xf32> to vector<1024x512xf32>
    %add3A_30 = arith.addf %dot_general3A_25, %add3A_29 : vector<1024x512xf32>
    %max3A_31 = arith.constant 0.000000e+00 : f32
    %max3A_32 = vector.broadcast %max3A_31 : f32 to vector<1024x512xf32>
    %max3A_33 = arith.maximumf %add3A_30, %max3A_32 : vector<1024x512xf32>
    %get3A_34 = arith.constant 0 : index
    %get3A_35 = arith.constant 0 : index
    %get3A_36 = vector.load %arg7[%get3A_34, %get3A_35] : memref<512x384xf32, #tpu.memory_space<vmem>>, vector<512x384xf32>
    %dot_general3A_37 = arith.constant dense<0.000000e+00> : vector<1024x384xf32>
    %dot_general3A_38 = tpu.matmul %max3A_33, %get3A_36, %dot_general3A_37 {dimension_numbers = #tpu.dot_dimension_numbers<[1], [0], [0], [1], [0, 0, 1, 1], [], []>, transpose_lhs_hint = false} : vector<1024x512xf32>, vector<512x384xf32>, vector<1024x384xf32> -> vector<1024x384xf32>
    %get3A_39 = arith.constant 0 : index
    %get3A_40 = arith.constant 0 : index
    %get3A_41 = vector.load %arg8[%get3A_39, %get3A_40] : memref<1x384xf32, #tpu.memory_space<vmem>>, vector<1x384xf32>
    %add3A_42 = vector.broadcast %get3A_41 : vector<1x384xf32> to vector<1024x384xf32>
    %add3A_43 = arith.addf %dot_general3A_38, %add3A_42 : vector<1024x384xf32>
    %swap3A = arith.constant 0 : index
    %swap3A_44 = arith.constant 0 : index
    %swap3A_45 = vector.load %arg9[%swap3A, %swap3A_44] : memref<1024x384xf32, #tpu.memory_space<vmem>>, vector<1024x384xf32>
    tpu.vector_store %arg9[%swap3A, %swap3A_44], %add3A_43 {strides = array<i32>} : memref<1024x384xf32, #tpu.memory_space<vmem>>, vector<1024x384xf32>,
    %mul3A = arith.mulf %add3A_43, %add3A_43 : vector<1024x384xf32>
    %reduce_sum3A = arith.constant dense<0.000000e+00> : vector<1024xf32>
    %reduce_sum3A_46 = vector.multi_reduction <add>, %mul3A, %reduce_sum3A [1] : vector<1024x384xf32> to vector<1024xf32>
    %broadcast_in_dim3A = vector.shape_cast %reduce_sum3A_46 : vector<1024xf32> to vector<1024x1xf32>
    %sqrt3A = math.sqrt %broadcast_in_dim3A : vector<1024x1xf32>
    %jit3A = arith.constant 9.99999996E-13 : f32
    %max3A_47 = vector.broadcast %jit3A : f32 to vector<1024x1xf32>
    %max3A_48 = arith.maximumf %max3A_47, %sqrt3A : vector<1024x1xf32>
    %div3A = vector.broadcast %max3A_48 : vector<1024x1xf32> to vector<1024x384xf32>
    %div3A_49 = arith.divf %add3A_43, %div3A : vector<1024x384xf32>
    %swap3A_50 = arith.constant 0 : index
    %swap3A_51 = arith.constant 0 : index
    %swap3A_52 = vector.load %arg10[%swap3A_50, %swap3A_51] : memref<1024x384xf32, #tpu.memory_space<vmem>>, vector<1024x384xf32>
    tpu.vector_store %arg10[%swap3A_50, %swap3A_51], %div3A_49 {strides = array<i32>} : memref<1024x384xf32, #tpu.memory_space<vmem>>, vector<1024x384xf32>,
    %get3A_53 = arith.constant 0 : index
    %get3A_54 = arith.constant 0 : index
    %get3A_55 = vector.load %arg2[%get3A_53, %get3A_54] : memref<1024x384xf32, #tpu.memory_space<vmem>>, vector<1024x384xf32>
    %mul3A_56 = arith.mulf %add3A_43, %get3A_55 : vector<1024x384xf32>
    %reduce_sum3A_57 = arith.constant dense<0.000000e+00> : vector<1024xf32>
    %reduce_sum3A_58 = vector.multi_reduction <add>, %mul3A_56, %reduce_sum3A_57 [1] : vector<1024x384xf32> to vector<1024xf32>
    %broadcast_in_dim3A_59 = vector.shape_cast %reduce_sum3A_58 : vector<1024xf32> to vector<1024x1xf32>
    %mul3A_60 = arith.mulf %get3A_55, %get3A_55 : vector<1024x384xf32>
    %reduce_sum3A_61 = arith.constant dense<0.000000e+00> : vector<1024xf32>
    %reduce_sum3A_62 = vector.multi_reduction <add>, %mul3A_60, %reduce_sum3A_61 [1] : vector<1024x384xf32> to vector<1024xf32>
    %broadcast_in_dim3A_63 = vector.shape_cast %reduce_sum3A_62 : vector<1024xf32> to vector<1024x1xf32>
    %sqrt3A_64 = math.sqrt %broadcast_in_dim3A_63 : vector<1024x1xf32>
    %jit3A_65 = arith.constant 9.99999993E-9 : f32
    %max3A_66 = vector.broadcast %jit3A_65 : f32 to vector<1024x1xf32>
    %max3A_67 = arith.maximumf %max3A_66, %sqrt3A : vector<1024x1xf32>
    %jit3A_68 = arith.constant 9.99999993E-9 : f32
    %max3A_69 = vector.broadcast %jit3A_68 : f32 to vector<1024x1xf32>
    %max3A_70 = arith.maximumf %max3A_69, %sqrt3A_64 : vector<1024x1xf32>
    %mul3A_71 = arith.mulf %max3A_67, %max3A_70 : vector<1024x1xf32>
    %div3A_72 = arith.divf %broadcast_in_dim3A_59, %mul3A_71 : vector<1024x1xf32>
    %sub3A = arith.constant 1.000000e+00 : f32
    %sub3A_73 = vector.broadcast %sub3A : f32 to vector<1024x1xf32>
    %sub3A_74 = arith.subf %sub3A_73, %div3A_72 : vector<1024x1xf32>
    %reduce_sum3A_75 = arith.constant dense<0.000000e+00> : vector<1xf32>
    %reduce_sum3A_76 = vector.multi_reduction <add>, %sub3A_74, %reduce_sum3A_75 [0] : vector<1024x1xf32> to vector<1xf32>
    %broadcast_in_dim3A_77 = vector.shape_cast %reduce_sum3A_76 : vector<1xf32> to vector<1x1xf32>
    %div3A_78 = arith.constant 1.024000e+03 : f32
    %div3A_79 = vector.broadcast %div3A_78 : f32 to vector<1x1xf32>
    %div3A_80 = arith.divf %broadcast_in_dim3A_77, %div3A_79 : vector<1x1xf32>
    %swap3A_81 = arith.constant 0 : index
    %swap3A_82 = arith.constant 0 : index
    %swap3A_83 = vector.load %arg11[%swap3A_81, %swap3A_82] : memref<1x1xf32, #tpu.memory_space<vmem>>, vector<1x1xf32>
    tpu.vector_store %arg11[%swap3A_81, %swap3A_82], %div3A_80 {strides = array<i32>} : memref<1x1xf32, #tpu.memory_space<vmem>>, vector<1x1xf32>,
    return
  }
}

</mosaic_0001>

<sc_bundles>
// kernel: kernel.5.cloned.1.call-start
scs
__scs_entry_jumppad:
0x0: {  	(pc) =	sbr.rel $0x88, $3  }
0x1: {  	(tag) =	ssettag $0x0;
	lr =	simm.s32 $0x1  }
0x2: {  	[smem:$0x3F96] =	sst lr;
	_ =	strace $0xD0000000  }
0x3: {  	_ = 	snop  }
0x4: {  	_ = 	snop  }
0x5: {  	_ = 	snop  }
0x6: {  	_ = 	snop  }
0x7: {  	_ = 	snop  }
__scs_overlays_trampoline_lowered:
0x8: {  	[smem:$0x3FA5] =	sst s0  }
0x9: {  	[smem:$0x3FA6] =	sst s1  }
0xa: {  	[smem:$0x3FA7] =	sst s2  }
0xb: {  	[smem:$0x3FA8] =	sst s3  }
0xc: {  	[smem:$0x3FA9] =	sst s4  }
0xd: {  	[smem:$0x3FAA] =	sst s5  }
0xe: {  	[smem:$0x3FAB] =	sst s6  }
0xf: {  	[smem:$0x3FAC] =	sst s7  }
0x10: {  	[smem:$0x3FAD] =	sst s8  }
0x11: {  	[smem:$0x3FAE] =	sst s9;
	s0 =	simm.s32 @!p0 $0x0  }
0x12: {  	s1 =	sld [smem:$0x3F94];
	s0 =	simm.s32 @p0 $0x1  }
0x13: {  	[smem:$0x3FAF] =	sst s0;
	s0 =	simm.s32 @!p1 $0x0  }
0x14: {  	s2 =	sld [smem:$0x3F93];
	s0 =	simm.s32 @p1 $0x1  }
0x15: {  	[smem:$0x3FB0] =	sst s0;
	s0 =	simm.s32 @!p2 $0x0  }
0x16: {  	s3 =	sld [smem:$0x3FDB];
	s0 =	simm.s32 @p2 $0x1  }
0x17: {  	s4 =	simm.s32 $0x1BF5;
	[smem:$0x3FB2] =	sst s0  }
0x18: {  	s0 =	sld [smem:$0x3F95];
	_ =	swait.ge [sflag:s4], $0x0  }
0x19: {  	s7 =	sld [smem:$0x3F96]  }
0x1a: {  	s8 =	sadd.s32 $0xFFFFE003, lr  }
0x1b: {  	s9 =	sadd.s32 $0xFFFFFEF7, lr;
	s5 =	simm.s32 $0xFFFFFFFF;
	p2 =	slt.u32 s8, $0xFFFFF086  }
0x1c: {  	p1 =	slt.u32 s9, $0xF7A;
	s5 =	simm.s32 @!p2 $0x0  }
0x1d: {  	s5 =	simm.s32 @p1 $0x1;
	p0 =	seq.s32 s7, s2  }
0x1e: {  	s7 =	smul.u32 @!p0 $0xF7A, s2;
	p2 =	seq.s32 @!p0 s5, $0x0  }
0x1f: {  	s9 =	smul.u32 $0xF7A, s1;
	s8 =	simm.s32 @!p0 $0x1BF5;
	p2 =	por !p2, p0  }
0x20: {  	[sflag:s8] =	ssyncset.s32 @!p0 $0xFFFFF086;
	s6 =	sadd.s32 @!p0 s3, s7;
	s7 =	simm.s32 @!p0 $0x108  }
0x21: {  	s3 =	sadd.s32 s3, s9;
	s6 =	sadd.s32 @!p0 $0x88, s6;
	s7 =	simm.s32 @p2 $0x1082  }
0x22: {  	[simem:s7], [sflag:s8] =	dma.local @!p0 [hbm:s6], $0xF7A  }
0x23: {  	s9 =	sor.u32 $0xD0000000, s2;
	s6 =	simm.s32 $0x108;
	_ =	swait.ge @!p0 [sflag:s8], $0x0  }
0x24: {  	s3 =	sadd.s32 $0x88, s3;
	s6 =	simm.s32 @!p1 $0x1082;
	[sflag:s4] =	ssyncset.s32 $0xFFFFF086  }
0x25: {  	[simem:s6], [sflag:s4] =	dma.local [hbm:s3], $0xF7A  }
0x26: {  	[smem:$0x3F96] =	sst s1;
	(tag) =	ssettag s2;
	_ =	strace s9  }
0x27: {  	s1 =	sld [smem:$0x3FA6]  }
0x28: {  	s2 =	sld [smem:$0x3FA7]  }
0x29: {  	s4 =	sld [smem:$0x3FA9]  }
0x2a: {  	p0 =	seq.s32 s5, $0x0;
	s5 =	sld [smem:$0x3FAA]  }
0x2b: {  	s6 =	sld [smem:$0x3FAB]  }
0x2c: {  	s7 =	sld [smem:$0x3FAC]  }
0x2d: {  	s3 =	simm.s32 $0x108;
	s8 =	sld [smem:$0x3FAD]  }
0x2e: {  	s3 =	simm.s32 @!p0 $0x1082;
	s9 =	sld [smem:$0x3FAE]  }
0x2f: {  	lr =	sadd.s32 s0, s3;
	s0 =	sld [smem:$0x3FA5]  }
0x30: {  	s3 =	sld [smem:$0x3FA8]  }
0x31: {  	[smem:$0x3FB1] =	sst s10  }
0x32: {  	s10 =	sld [smem:$0x3FAF];
	_ =	sdelay $0x3  }
0x33: {  	p0 =	seq.s32 s10, $0x1;
	s10 =	sld [smem:$0x3FB1];
	_ =	sdelay $0x3  }
0x34: {  	[smem:$0x3FB1] =	sst s10  }
0x35: {  	s10 =	sld [smem:$0x3FB0];
	_ =	sdelay $0x3  }
0x36: {  	p1 =	seq.s32 s10, $0x1;
	s10 =	sld [smem:$0x3FB1];
	_ =	sdelay $0x3  }
0x37: {  	[smem:$0x3FB1] =	sst s10  }
0x38: {  	s10 =	sld [smem:$0x3FB2]  }
0x39: {  	_ = 	snop;
	(pc) =	sbr.ind lr, $3  }
0x3a: {  	_ = 	snop  }
0x3b: {  	_ = 	snop  }
0x3c: {  	p2 =	seq.s32 s10, $0x1;
	s10 =	sld [smem:$0x3FB1]  }
0x3d: {  	_ =	shalt  }
0x3e: {  	_ =	shalt  }
0x3f: {  	_ =	shalt  }
0x40: {  	_ =	shalt  }
0x41: {  	_ =	shalt  }
0x42: {  	_ =	shalt  }
0x43: {  	_ =	shalt  }
0x44: {  	_ =	shalt  }
0x45: {  	_ =	shalt  }
0x46: {  	_ =	shalt  }
0x47: {  	_ =	shalt  }
0x48: {  	_ =	shalt  }
0x49: {  	_ =	shalt  }
0x4a: {  	_ =	shalt  }
0x4b: {  	_ =	shalt  }
0x4c: {  	_ =	shalt  }
0x4d: {  	_ =	shalt  }
0x4e: {  	_ =	shalt  }
0x4f: {  	_ =	shalt  }
0x50: {  	_ =	shalt  }
0x51: {  	_ =	shalt  }
0x52: {  	_ =	shalt  }
0x53: {  	_ =	shalt  }
0x54: {  	_ =	shalt  }
0x55: {  	_ =	shalt  }
0x56: {  	_ =	shalt  }
0x57: {  	_ =	shalt  }
0x58: {  	_ =	shalt  }
0x59: {  	_ =	shalt  }
0x5a: {  	_ =	shalt  }
0x5b: {  	_ =	shalt  }
0x5c: {  	_ =	shalt  }
0x5d: {  	_ =	shalt  }
0x5e: {  	_ =	shalt  }
0x5f: {  	_ =	shalt  }
0x60: {  	_ =	shalt  }
0x61: {  	_ =	shalt  }
0x62: {  	_ =	shalt  }
0x63: {  	_ =	shalt  }
0x64: {  	_ =	shalt  }
0x65: {  	_ =	shalt  }
0x66: {  	_ =	shalt  }
0x67: {  	_ =	shalt  }
0x68: {  	_ =	shalt  }
0x69: {  	_ =	shalt  }
0x6a: {  	_ =	shalt  }
0x6b: {  	_ =	shalt  }
0x6c: {  	_ =	shalt  }
0x6d: {  	_ =	shalt  }
0x6e: {  	_ =	shalt  }
0x6f: {  	_ =	shalt  }
0x70: {  	_ =	shalt  }
0x71: {  	_ =	shalt  }
0x72: {  	_ =	shalt  }
0x73: {  	_ =	shalt  }
0x74: {  	_ =	shalt  }
0x75: {  	_ =	shalt  }
0x76: {  	_ =	shalt  }
0x77: {  	_ =	shalt  }
0x78: {  	_ =	shalt  }
0x79: {  	_ =	shalt  }
0x7a: {  	_ =	shalt  }
0x7b: {  	_ =	shalt  }
0x7c: {  	_ =	shalt  }
0x7d: {  	_ =	shalt  }
0x7e: {  	_ =	shalt  }
0x7f: {  	_ =	shalt  }
0x80: {  	_ =	shalt  }
0x81: {  	_ =	shalt  }
0x82: {  	_ =	shalt  }
0x83: {  	_ =	shalt  }
0x84: {  	_ =	shalt  }
0x85: {  	_ =	shalt  }
0x86: {  	_ =	shalt  }
0x87: {  	_ =	shalt  }
.Lfunc_end0:
.L_simem_size_0:
called_computation_lowered:
.L_overlay_start_0:
0x88: {  	s2 =	sld [smem:$0x3FD9]  }
0x89: {  	s3 =	sld [smem:$0x3FFE];
	_ =	sdelay $0x1  }
0x8a: {  	s1 =	srdreg.scid  }
0x8b: {  	s0 =	sand.u32 $0x1, s1  }
0x8c: {  	s14 =	sshll.u32 s0, $0xA;
	s2 =	sadd.s32 s3, s2  }
0x8d: {  	s2 =	sadd.s32 s2, s14  }
0x8e: {  	[smem:$0x3FBD] =	sst s2  }
0x8f: {  	_ = 	snop  }
0x90: {  	s2 =	sld [smem:$0x3FD0];
	_ =	sdelay $0x2  }
0x91: {  	s4 =	simm.s32 $0xA;
	s5 =	simm.s32 $0x10;
	s15 =	sld [smem:$0x3FBF]  }
0x92: {  	[smem:s5], [sflag:s4] =	dma.local [hbm:s2], $0x1  }
0x93: {  	_ =	swait.eq [sflag:s4], $0x1  }
0x94: {  	[sflag:s4] =	ssyncset.done $0x0  }
0x95: {  	[sflag:s4] =	ssyncadd.s32 $0xFFFFFFFF  }
0x96: {  	s16 =	sld [smem:$0x10];
	(tm) =	ssettm $0x1  }
0x97: {  	s17 =	sld [smem:$0x3FFB];
	_ =	sdelay $0x3  }
0x98: {  	_ =	strace s17  }
0x99: {  	s4 =	sld [smem:$0x3FFC];
	_ =	sdelay $0x3  }
0x9a: {  	_ =	strace s4  }
0x9b: {  	s4 =	sld [smem:$0x3FFD];
	_ =	sdelay $0x3  }
0x9c: {  	_ =	strace s4  }
0x9d: {  	_ =	strace $0x8FFFFFFF  }
0x9e: {  	s18 =	sld [smem:$0x3FDB];
	_ =	sdelay $0x1  }
0x9f: {  	s19 =	simm.s32 $_scs_section_size  }
0xa0: {  	s6 =	simm.s32 $_size__tile_overlayer_lowered;
	s7 =	simm.s32 $_tile_overlayer_lowered  }
0xa1: {  	s22 =	simm.s32 $0x1BFF;
	s21 =	sshll.u32 s7, $0x1;
	s4 =	sadd.s32 s19, s18  }
0xa2: {  	s8 =	simm.s32 $0x0;
	s20 =	sshll.u32 s6, $0x1;
	s6 =	sadd.s32 s21, s4  }
0xa3: {  	[timem:s8], [sflag:s22] =	dma.local [hbm:s6], s20  }
0xa4: {  	_ =	swait.ge [sflag:s22], s20  }
0xa5: {  	s5 =	ssub.s32 $0x0, s20;
	[sflag:s22] =	ssyncset.done $0x0  }
0xa6: {  	[sflag:s22] =	ssyncadd.s32 s5;
	_ =	sdelay $0x1  }
0xa7: {  	s23 =	simm.s32 $0x1B8B  }
0xa8: {  	_ =	swait.ge [sflag:s23], $0x1  }
0xa9: {  	[sflag:s23] =	ssyncset.done $0x0  }
0xaa: {  	s25 =	simm.s32 $0x1B8E;
	s24 =	sld [smem:$0x3FFE];
	[sflag:s23] =	ssyncadd.s32 $0xFFFFFFFF  }
0xab: {  	s26 =	simm.s32 $execute0_lowered;
	[smem:$0x3FD2] =	sst s25  }
0xac: {  	s6 =	sshll.u32 s26, $0x1;
	_ =	strace $0x80000046;
	[dreg:$0x1] =	wrdreg $0xFFFFFFFF  }
0xad: {  	s28 =	simm.s32 $_size_execute0_lowered;
	s4 =	sadd.s32 s4, s6;
	[dreg:$0x0] =	wrdreg $0x0  }
0xae: {  	s6 =	sshll.u32 s28, $0x1;
	[dreg:$0x2] =	wrdreg s4  }
0xaf: {  	[dreg:$0x3] =	wrdreg s6  }
0xb0: {  	[dreg:$0x4] =	wrdreg $0xC0  }
0xb1: {  	_ =	task [dreg:s8], $0x5FFFF  }
0xb2: {  	[dreg:$0x1] =	wrdreg $0xFFFFFFFF  }
0xb3: {  	[dreg:$0x0] =	wrdreg $0x60  }
0xb4: {  	[dreg:$0x2] =	wrdreg s15  }
0xb5: {  	[dreg:$0x3] =	wrdreg s24  }
0xb6: {  	[dreg:$0x4] =	wrdreg s16  }
0xb7: {  	[dreg:$0x5] =	wrdreg $0x9  }
0xb8: {  	_ =	task.clear_ibuf [dreg:s8], $0x6FFFF;
	_ =	strace $0x90000046  }
0xb9: {  	s29 =	simm.s32 $0x9;
	_ =	strace $0x8000004F  }
0xba: {  	_ =	swait.ge [sflag:s29], $0x1  }
0xbb: {  	[sflag:s29] =	ssyncadd.s32 $0xFFFFFFFF  }
0xbc: {  	_ =	strace $0x9000004F  }
0xbd: {  	_ =	sfence  }
0xbe: {  	s30 =	sld [smem:$0x0];
	_ =	sdelay $0x2  }
0xbf: {  	s31 =	sshll.u32 s1, $0xD;
	s1 =	sshrl.u32 s1, $0x2  }
0xc0: {  	s3 =	sand.u32 $0x4000, s31;
	s1 =	sadd.s32 s1, s30  }
0xc1: {  	s0 =	sor.u32 s3, s0;
	s1 =	sshll.u32 s1, $0x11  }
0xc2: {  	s0 =	sor.u32 s1, s0  }
0xc3: {  	s0 =	sadd.s32 $0x8F2B, s0  }
0xc4: {  	[sflag:s0] =	ssyncadd.remote.s32 $0x1  }
0xc5: {  	_ =	sfence.sel $0xFFFF  }
0xc6: {  	[dreg:$0x0] =	wrdreg $0xFFFFFFFF;
	(pc) =	sbr.abs _section_cstart, $3  }
0xc7: {  	[dreg:$0x1] =	wrdreg $0xFFFFFFFF  }
0xc8: {  	_ =	task.clear_ibuf [dreg:s8], $0x2FFFF;
	_ =	strace $0x9FFFFFFF  }
0xc9: {  	(tm) =	ssettm $0x7FFFFFFF  }
tec
execute0_lowered:
.L_overlay_start_1:
0x0: {  	(tag) =	ssettag $0x1  }
0x1: {  	s1 =	srdreg.scid  }
0x2: {  	s1 =	sand.u32 $0x1, s1  }
0x3: {  	s2 =	stileid.u32;
	s6 =	sshll.u32 s1, $0x4  }
0x4: {  	s6 =	sor.u32 s2, s6  }
0x5: {  	p0 =	sgt.u32 s6, $0x17  }
.Ltmp0:
0x6: {  	_ = 	snop;
	(pc) =	sbr.rel @p0 .LBB2_3-.Ltmp0, $4  }
0x7: {  	s0 =	rddreg [dreg:$0x0]  }
0x8: {  	s5 =	rddreg [dreg:$0x1];
	s3 =	simm.s32 $0x0  }
0x9: {  	[smem:$0x7FF] =	sst s3  }
0xa: {  	s4 =	rddreg [dreg:$0x2];
	_ =	strace $0x80000047  }
0xb: {  	s6 =	smin.u32 s6, $0x18;
	s17 =	simm.s32 $0x900  }
0xc: {  	s18 =	simm.s32 $0xD00;
	s19 =	simm.s32 $0x1500;
	s20 =	simm.s32 $0x1900  }
0xd: {  	s21 =	simm.s32 $0x2100;
	s1 =	ssub.s32 $0x2, s1;
	s22 =	simm.s32 $0x2500  }
0xe: {  	s24 =	simm.s32 $0x2D00;
	s25 =	simm.s32 $0x3100;
	[dreg:$0x6] =	wrdreg s17  }
0xf: {  	s26 =	simm.s32 $0x3900;
	s9 =	simm.s32 $0x4500;
	[dreg:$0x7] =	wrdreg s18  }
0x10: {  	s10 =	simm.s32 $0x4900;
	s11 =	simm.s32 $0x5100;
	[dreg:$0x8] =	wrdreg s19  }
0x11: {  	s12 =	simm.s32 $0x5500;
	s13 =	simm.s32 $0x5D00;
	[dreg:$0x9] =	wrdreg s20  }
0x12: {  	s14 =	simm.s32 $0x6100;
	s15 =	simm.s32 $0x6900;
	[dreg:$0xa] =	wrdreg s21  }
0x13: {  	s16 =	simm.s32 $0x6D00;
	s28 =	simm.s32 $0xB100;
	[dreg:$0xb] =	wrdreg s22  }
0x14: {  	s29 =	simm.s32 $0xB500;
	s30 =	simm.s32 $0xBD00;
	[dreg:$0xc] =	wrdreg s24  }
0x15: {  	s31 =	simm.s32 $0x5;
	s7 =	sshll.u32 s6, $0x4;
	[dreg:$0xd] =	wrdreg s25  }
0x16: {  	s6 =	smul.u32 $0x1800, s6;
	s23 =	sshrl.u32 s1, $0x1;
	[dreg:$0xe] =	wrdreg s26  }
0x17: {  	s17 =	simm.s32 $0x7500;
	s18 =	simm.s32 $0x7900;
	s19 =	simm.s32 $0x8100  }
0x18: {  	s20 =	simm.s32 $0x8500;
	s21 =	simm.s32 $0x8D00;
	s22 =	simm.s32 $0x9100  }
0x19: {  	s24 =	simm.s32 $0x9D00;
	s25 =	simm.s32 $0xA500;
	s5 =	sadd.s32 s7, s5  }
0x1a: {  	s26 =	simm.s32 $0xA900;
	s1 =	ssub.s32 s1, s23;
	s5 =	sadd.s32 $0x1600, s5  }
0x1b: {  	v2 =	vlaneseq.u32;
	s7 =	simm.s32 $0x100;
	s4 =	sadd.s32 s4, s6;
	[dreg:$0x4] =	wrdreg s5  }
0x1c: {  	vm0 =	vmmov $0xffff;
	vm1 =	vmmov $0xff;
	v1 =	vshrl.u32 v2, $0x3;
	s23 =	simm.s32 $0x9900;
	s6 =	simm.s32 $0x1;
	[dreg:$0x5] =	wrdreg s4  }
0x1d: {  	v0 =	vand.u32 $0x7, v2;
	v2 =	vor.u32 $0x8, v2;
	v1 =	vmul.u32 $0x8, v1;
	s4 =	sadd.s32 $0x100, s0;
	s5 =	smax.u32 s1, $0x1;
	s1 =	simm.s32 $0x3  }
.LBB2_2:
0x1e: {  	_ =	strace $0x80000048  }
0x1f: {  	s2 =	rddreg [dreg:$0x4]  }
0x20: {  	[tilespmem:s3], [sflag:$0x1] =	stream.linear.gather [hbm4b:s2+s3], $0x80, $0x200038;
	[tilespmem:$0x18100] =	vst v63  }
0x21: {  	_ =	strace $0x90000048  }
0x22: {  	_ =	strace $0x8000004A  }
0x23: {  	_ =	swait.ge [sflag:s6], $0x80  }
0x24: {  	[sflag:s6] =	ssyncset.done $0x0  }
0x25: {  	[sflag:s6] =	ssyncadd.s32 $0xFFFFFF80  }
0x26: {  	_ =	strace $0x9000004A  }
0x27: {  	_ =	strace $0x8000004B  }
0x28: {  	v3 =	vld [tilespmem:$0x0];
	_ =	sdelay $0x4  }
0x29: {  	v4 =	vshrl.u32 v3, $0x3  }
0x2a: {  	v4 =	vmul.u32 $0x18, v4  }
0x2b: {  	v3 =	vand.u32 $0x7, v3  }
0x2c: {  	v3 =	vor.u32 v3, v4  }
0x2d: {  	v4 =	vperm.xlane v3, v0;
	_ =	sdelay $0x1  }
0x2e: {  	v4 =	vadd.s32 v1, v4;
	_ =	sdelay $0x1  }
0x2f: {  	v3 =	vperm.xlane v3, v2;
	_ =	sdelay $0x1  }
0x30: {  	v3 =	vadd.s32 v1, v3  }
0x31: {  	[tilespmem:s7], [sflag:$0x5] =	stream.indirect_vreg.gather [hbm4b:s0+s3], $0x80, v4, vm0, $0x2000b8;
	[tilespmem:$0x18100] =	vst v63  }
0x32: {  	s2 =	rddreg [dreg:$0x6]  }
0x33: {  	[tilespmem:s2], [sflag:$0x5] =	stream.indirect_vreg.gather [hbm4b:s4+s3], $0x80, v4, vm1, $0x2000b8;
	[tilespmem:$0x18100] =	vst v63  }
0x34: {  	s8 =	rddreg [dreg:$0x7]  }
0x35: {  	[tilespmem:s8], [sflag:$0x5] =	stream.indirect_vreg.gather [hbm4b:s0+s3], $0x80, v3, vm0, $0x2000b8;
	[tilespmem:$0x18100] =	vst v63  }
0x36: {  	s2 =	rddreg [dreg:$0x8]  }
0x37: {  	[tilespmem:s2], [sflag:$0x5] =	stream.indirect_vreg.gather [hbm4b:s4+s3], $0x80, v3, vm1, $0x2000b8;
	[tilespmem:$0x18100] =	vst v63  }
0x38: {  	v3 =	vld [tilespmem:$0x10];
	_ =	sdelay $0x4  }
0x39: {  	v57 =	vshrl.u32 v3, $0x3  }
0x3a: {  	v4 =	vmul.u32 $0x18, v57  }
0x3b: {  	v3 =	vand.u32 $0x7, v3  }
0x3c: {  	v3 =	vor.u32 v3, v4  }
0x3d: {  	v4 =	vperm.xlane v3, v0;
	_ =	sdelay $0x1  }
0x3e: {  	v4 =	vadd.s32 v1, v4;
	_ =	sdelay $0x1  }
0x3f: {  	v3 =	vperm.xlane v3, v2;
	_ =	sdelay $0x1  }
0x40: {  	s2 =	rddreg [dreg:$0x9];
	v3 =	vadd.s32 v1, v3  }
0x41: {  	[tilespmem:s2], [sflag:$0x5] =	stream.indirect_vreg.gather [hbm4b:s0+s3], $0x80, v4, vm0, $0x2000b8;
	[tilespmem:$0x18100] =	vst v63  }
0x42: {  	s8 =	rddreg [dreg:$0xa]  }
0x43: {  	[tilespmem:s8], [sflag:$0x5] =	stream.indirect_vreg.gather [hbm4b:s4+s3], $0x80, v4, vm1, $0x2000b8;
	[tilespmem:$0x18100] =	vst v63  }
0x44: {  	s2 =	rddreg [dreg:$0xb]  }
0x45: {  	[tilespmem:s2], [sflag:$0x5] =	stream.indirect_vreg.gather [hbm4b:s0+s3], $0x80, v3, vm0, $0x2000b8;
	[tilespmem:$0x18100] =	vst v63  }
0x46: {  	s8 =	rddreg [dreg:$0xc]  }
0x47: {  	[tilespmem:s8], [sflag:$0x5] =	stream.indirect_vreg.gather [hbm4b:s4+s3], $0x80, v3, vm1, $0x2000b8;
	[tilespmem:$0x18100] =	vst v63  }
0x48: {  	v3 =	vld [tilespmem:$0x20];
	_ =	sdelay $0x4  }
0x49: {  	v58 =	vshrl.u32 v3, $0x3  }
0x4a: {  	v4 =	vmul.u32 $0x18, v58  }
0x4b: {  	v3 =	vand.u32 $0x7, v3  }
0x4c: {  	v3 =	vor.u32 v3, v4  }
0x4d: {  	v4 =	vperm.xlane v3, v0;
	_ =	sdelay $0x1  }
0x4e: {  	v4 =	vadd.s32 v1, v4;
	_ =	sdelay $0x1  }
0x4f: {  	v3 =	vperm.xlane v3, v2;
	_ =	sdelay $0x1  }
0x50: {  	s2 =	rddreg [dreg:$0xd];
	v3 =	vadd.s32 v1, v3  }
0x51: {  	[tilespmem:s2], [sflag:$0x5] =	stream.indirect_vreg.gather [hbm4b:s0+s3], $0x80, v4, vm0, $0x2000b8;
	[tilespmem:$0x18100] =	vst v63  }
0x52: {  	s8 =	rddreg [dreg:$0xe]  }
0x53: {  	[tilespmem:s8], [sflag:$0x5] =	stream.indirect_vreg.gather [hbm4b:s4+s3], $0x80, v4, vm1, $0x2000b8;
	[tilespmem:$0x18100] =	vst v63  }
0x54: {  	s8 =	simm.s32 $0x3D00  }
0x55: {  	[tilespmem:s8], [sflag:$0x5] =	stream.indirect_vreg.gather [hbm4b:s0+s3], $0x80, v3, vm0, $0x2000b8;
	[tilespmem:$0x18100] =	vst v63  }
0x56: {  	_ = 	snop  }
0x57: {  	[tilespmem:s9], [sflag:$0x5] =	stream.indirect_vreg.gather [hbm4b:s4+s3], $0x80, v3, vm1, $0x2000b8;
	[tilespmem:$0x18100] =	vst v63  }
0x58: {  	v3 =	vld [tilespmem:$0x30];
	_ =	sdelay $0x4  }
0x59: {  	v59 =	vshrl.u32 v3, $0x3  }
0x5a: {  	v4 =	vmul.u32 $0x18, v59  }
0x5b: {  	v3 =	vand.u32 $0x7, v3  }
0x5c: {  	v3 =	vor.u32 v3, v4  }
0x5d: {  	v4 =	vperm.xlane v3, v0;
	_ =	sdelay $0x1  }
0x5e: {  	v4 =	vadd.s32 v1, v4;
	_ =	sdelay $0x1  }
0x5f: {  	v3 =	vperm.xlane v3, v2;
	_ =	sdelay $0x1  }
0x60: {  	v3 =	vadd.s32 v1, v3  }
0x61: {  	[tilespmem:s10], [sflag:$0x5] =	stream.indirect_vreg.gather [hbm4b:s0+s3], $0x80, v4, vm0, $0x2000b8;
	[tilespmem:$0x18100] =	vst v63  }
0x62: {  	_ = 	snop  }
0x63: {  	[tilespmem:s11], [sflag:$0x5] =	stream.indirect_vreg.gather [hbm4b:s4+s3], $0x80, v4, vm1, $0x2000b8;
	[tilespmem:$0x18100] =	vst v63  }
0x64: {  	_ = 	snop  }
0x65: {  	[tilespmem:s12], [sflag:$0x5] =	stream.indirect_vreg.gather [hbm4b:s0+s3], $0x80, v3, vm0, $0x2000b8;
	[tilespmem:$0x18100] =	vst v63  }
0x66: {  	_ = 	snop  }
0x67: {  	[tilespmem:s13], [sflag:$0x5] =	stream.indirect_vreg.gather [hbm4b:s4+s3], $0x80, v3, vm1, $0x2000b8;
	[tilespmem:$0x18100] =	vst v63  }
0x68: {  	v3 =	vld [tilespmem:$0x40];
	_ =	sdelay $0x4  }
0x69: {  	v60 =	vshrl.u32 v3, $0x3  }
0x6a: {  	v4 =	vmul.u32 $0x18, v60  }
0x6b: {  	v3 =	vand.u32 $0x7, v3  }
0x6c: {  	v3 =	vor.u32 v3, v4  }
0x6d: {  	v4 =	vperm.xlane v3, v0;
	_ =	sdelay $0x1  }
0x6e: {  	v4 =	vadd.s32 v1, v4;
	_ =	sdelay $0x1  }
0x6f: {  	v3 =	vperm.xlane v3, v2;
	_ =	sdelay $0x1  }
0x70: {  	v3 =	vadd.s32 v1, v3  }
0x71: {  	[tilespmem:s14], [sflag:$0x5] =	stream.indirect_vreg.gather [hbm4b:s0+s3], $0x80, v4, vm0, $0x2000b8;
	[tilespmem:$0x18100] =	vst v63  }
0x72: {  	_ = 	snop  }
0x73: {  	[tilespmem:s15], [sflag:$0x5] =	stream.indirect_vreg.gather [hbm4b:s4+s3], $0x80, v4, vm1, $0x2000b8;
	[tilespmem:$0x18100] =	vst v63  }
0x74: {  	_ = 	snop  }
0x75: {  	[tilespmem:s16], [sflag:$0x5] =	stream.indirect_vreg.gather [hbm4b:s0+s3], $0x80, v3, vm0, $0x2000b8;
	[tilespmem:$0x18100] =	vst v63  }
0x76: {  	_ = 	snop  }
0x77: {  	[tilespmem:s17], [sflag:$0x5] =	stream.indirect_vreg.gather [hbm4b:s4+s3], $0x80, v3, vm1, $0x2000b8;
	[tilespmem:$0x18100] =	vst v63  }
0x78: {  	v3 =	vld [tilespmem:$0x50];
	_ =	sdelay $0x4  }
0x79: {  	v61 =	vshrl.u32 v3, $0x3  }
0x7a: {  	v4 =	vmul.u32 $0x18, v61  }
0x7b: {  	v3 =	vand.u32 $0x7, v3  }
0x7c: {  	v3 =	vor.u32 v3, v4  }
0x7d: {  	v4 =	vperm.xlane v3, v0;
	_ =	sdelay $0x1  }
0x7e: {  	v4 =	vadd.s32 v1, v4;
	_ =	sdelay $0x1  }
0x7f: {  	v3 =	vperm.xlane v3, v2;
	_ =	sdelay $0x1  }
0x80: {  	v3 =	vadd.s32 v1, v3  }
0x81: {  	[tilespmem:s18], [sflag:$0x5] =	stream.indirect_vreg.gather [hbm4b:s0+s3], $0x80, v4, vm0, $0x2000b8;
	[tilespmem:$0x18100] =	vst v63  }
0x82: {  	_ = 	snop  }
0x83: {  	[tilespmem:s19], [sflag:$0x5] =	stream.indirect_vreg.gather [hbm4b:s4+s3], $0x80, v4, vm1, $0x2000b8;
	[tilespmem:$0x18100] =	vst v63  }
0x84: {  	_ = 	snop  }
0x85: {  	[tilespmem:s20], [sflag:$0x5] =	stream.indirect_vreg.gather [hbm4b:s0+s3], $0x80, v3, vm0, $0x2000b8;
	[tilespmem:$0x18100] =	vst v63  }
0x86: {  	_ = 	snop  }
0x87: {  	[tilespmem:s21], [sflag:$0x5] =	stream.indirect_vreg.gather [hbm4b:s4+s3], $0x80, v3, vm1, $0x2000b8;
	[tilespmem:$0x18100] =	vst v63  }
0x88: {  	v3 =	vld [tilespmem:$0x60];
	_ =	sdelay $0x4  }
0x89: {  	v62 =	vshrl.u32 v3, $0x3  }
0x8a: {  	v4 =	vmul.u32 $0x18, v62  }
0x8b: {  	v3 =	vand.u32 $0x7, v3  }
0x8c: {  	v3 =	vor.u32 v3, v4  }
0x8d: {  	v4 =	vperm.xlane v3, v0;
	_ =	sdelay $0x1  }
0x8e: {  	v4 =	vadd.s32 v1, v4;
	_ =	sdelay $0x1  }
0x8f: {  	v3 =	vperm.xlane v3, v2;
	_ =	sdelay $0x1  }
0x90: {  	v3 =	vadd.s32 v1, v3  }
0x91: {  	[tilespmem:s22], [sflag:$0x5] =	stream.indirect_vreg.gather [hbm4b:s0+s3], $0x80, v4, vm0, $0x2000b8;
	[tilespmem:$0x18100] =	vst v63  }
0x92: {  	_ = 	snop  }
0x93: {  	[tilespmem:s23], [sflag:$0x5] =	stream.indirect_vreg.gather [hbm4b:s4+s3], $0x80, v4, vm1, $0x2000b8;
	[tilespmem:$0x18100] =	vst v63  }
0x94: {  	_ = 	snop  }
0x95: {  	[tilespmem:s24], [sflag:$0x5] =	stream.indirect_vreg.gather [hbm4b:s0+s3], $0x80, v3, vm0, $0x2000b8;
	[tilespmem:$0x18100] =	vst v63  }
0x96: {  	_ = 	snop  }
0x97: {  	[tilespmem:s25], [sflag:$0x5] =	stream.indirect_vreg.gather [hbm4b:s4+s3], $0x80, v3, vm1, $0x2000b8;
	[tilespmem:$0x18100] =	vst v63  }
0x98: {  	v3 =	vld [tilespmem:$0x70];
	_ =	sdelay $0x4  }
0x99: {  	v63 =	vshrl.u32 v3, $0x3  }
0x9a: {  	v4 =	vmul.u32 $0x18, v63  }
0x9b: {  	v3 =	vand.u32 $0x7, v3  }
0x9c: {  	v3 =	vor.u32 v3, v4  }
0x9d: {  	v4 =	vperm.xlane v3, v0;
	_ =	sdelay $0x1  }
0x9e: {  	v4 =	vadd.s32 v1, v4;
	_ =	sdelay $0x1  }
0x9f: {  	v3 =	vperm.xlane v3, v2;
	_ =	sdelay $0x1  }
0xa0: {  	v3 =	vadd.s32 v1, v3  }
0xa1: {  	[tilespmem:s26], [sflag:$0x5] =	stream.indirect_vreg.gather [hbm4b:s0+s3], $0x80, v4, vm0, $0x2000b8;
	[tilespmem:$0x18100] =	vst v63  }
0xa2: {  	_ = 	snop  }
0xa3: {  	[tilespmem:s28], [sflag:$0x5] =	stream.indirect_vreg.gather [hbm4b:s4+s3], $0x80, v4, vm1, $0x2000b8;
	[tilespmem:$0x18100] =	vst v63  }
0xa4: {  	_ = 	snop  }
0xa5: {  	[tilespmem:s29], [sflag:$0x5] =	stream.indirect_vreg.gather [hbm4b:s0+s3], $0x80, v3, vm0, $0x2000b8;
	[tilespmem:$0x18100] =	vst v63  }
0xa6: {  	_ = 	snop  }
0xa7: {  	[tilespmem:s30], [sflag:$0x5] =	stream.indirect_vreg.gather [hbm4b:s4+s3], $0x80, v3, vm1, $0x2000b8;
	[tilespmem:$0x18100] =	vst v63  }
0xa8: {  	_ =	swait.ge [sflag:s31], $0xC000  }
0xa9: {  	[sflag:s31] =	ssyncset.done $0x0  }
0xaa: {  	[sflag:s31] =	ssyncadd.s32 $0xFFFF4000  }
0xab: {  	_ =	strace $0x9000004B  }
0xac: {  	_ =	strace $0x8000004C  }
0xad: {  	s8 =	rddreg [dreg:$0x5]  }
0xae: {  	[hbm4b:s8+s3] =	stream.linear.scatter [tilespmem:s7], [sflag:$0x3], $0xC000, $0x200038;
	[tilespmem:$0x18100] =	vst v63  }
0xaf: {  	p0 =	sne.s32 s5, $0x1;
	_ =	strace $0x9000004C  }
.Ltmp1:
0xb0: {  	_ =	strace $0x8000004E;
	(pc) =	sbr.rel @p0 .LBB2_2-.Ltmp1, $4  }
0xb1: {  	_ =	swait.ge [sflag:s1], $0xC000  }
0xb2: {  	[sflag:s1] =	ssyncset.done $0x0  }
0xb3: {  	[sflag:s1] =	ssyncadd.s32 $0xFFFF4000  }
0xb4: {  	s5 =	sadd.s32 $0xFFFFFFFF, s5;
	_ =	strace $0x9000004E  }
.LBB2_3:
0xb5: {  	_ =	sfence.sel $0x180000  }
0xb6: {  	[bflag:$0x0] =	sbarrier.arrive $0xFFFF  }
0xb7: {  	_ =	strace $0x90000047  }
0xb8: {  	s0 =	stileid.u32;
	[bflag:$0x2] =	sbarrier.arrive $0xFFFF  }
0xb9: {  	p0 =	sne.s32 s0, $0x0;
	s0 =	rddreg [dreg:$0x3]  }
0xba: {  	s0 =	sadd.s32 @!p0 $0x100000, s0  }
0xbb: {  	[sflag:s0] =	ssyncadd.tile.s32 @!p0 $0x1;
	_ =	shalt  }
.Lfunc_end2:
_tile_overlayer_lowered:
.L_overlay_start_2:
0xbc: {  	(tag) =	ssettag $0x2  }
0xbd: {  	s0 =	rddreg [dreg:$0x0];
	s2 =	stileid.u32  }
0xbe: {  	s1 =	rddreg [dreg:$0x1];
	p0 =	sne.s32 s2, $0x0  }
0xbf: {  	s3 =	rddreg [dreg:$0x2];
	[bflag:$0x3] =	sbarrier.arrive $0xFFFF;
	s2 =	simm.s32 @!p0 $0x1C01  }
0xc0: {  	[timem:s3], [sflag:s2] =	dma.local @!p0 [hbm:s0], s1  }
0xc1: {  	s0 =	simm.s32 @!p0 $0x1  }
0xc2: {  	_ =	swait.ge @!p0 [sflag:s0], s1  }
0xc3: {  	s1 =	ssub.s32 @!p0 $0x0, s1;
	[sflag:s0] =	ssyncset.done @!p0 $0x0  }
0xc4: {  	[sflag:s0] =	ssyncadd.s32 @!p0 s1  }
0xc5: {  	[bflag:$0x3] =	sbarrier.arrive $0xFFFF  }
0xc6: {  	_ =	shalt  }

</sc_bundles>
